<compile_context>
chip_gen: v7x
topology: tpu7x:2x2x1
jax: 0.10.2.dev20260603
libtpu: 0.0.44.dev20260713+nightly
codegen_flags: <defaults>
</compile_context>

<pallas_src>
import functools

import jax
import jax.numpy as jnp
from jax import lax
from jax.experimental import pallas as pl
from jax.experimental.pallas import tpu as pltpu
from jax.experimental.pallas import tpu_sc as plsc

BATCH = 16384
DIM = 64
NC = 2
NS = 16
NW = NC * NS
BPW = BATCH // NW
LANES = 16
NGROUPS = BPW // LANES

_mesh = plsc.VectorSubcoreMesh(core_axis_name="c", subcore_axis_name="s")


def _sqrt16(x):
    i = plsc.bitcast(x, jnp.int32)
    i = jnp.int32(0x5F3759DF) - lax.shift_right_arithmetic(i, 1)
    y = plsc.bitcast(i, jnp.float32)
    for _ in range(3):
        y = y * (jnp.float32(1.5) - jnp.float32(0.5) * x * y * y)
    return x * y


@functools.partial(
    pl.kernel,
    out_type=jax.ShapeDtypeStruct((BATCH,), jnp.float32),
    mesh=_mesh,
    compiler_params=pltpu.CompilerParams(
        needs_layout_passes=False, use_tc_tiling_on_sc=False),
    scratch_types=[
        pltpu.VMEM((BPW,), jnp.int32),
        pltpu.VMEM((BPW,), jnp.int32),
        pltpu.VMEM((BPW,), jnp.int32),
        pltpu.VMEM((BPW,), jnp.int32),
        pltpu.VMEM((BPW, DIM), jnp.float32),
        pltpu.VMEM((BPW, DIM), jnp.float32),
        pltpu.VMEM((DIM,), jnp.float32),
        pltpu.VMEM((BPW,), jnp.float32),
        pltpu.SemaphoreType.DMA,
        pltpu.SemaphoreType.DMA,
    ],
)
def _score_kernel(xs_hbm, ys_hbm, gid_hbm, emb_hbm, rel_hbm, out_hbm,
                  xv, yv, xe, ye, hv, tv, rv, ov, sem1, sem2):
    wid = lax.axis_index("s") * NC + lax.axis_index("c")
    base = wid * BPW

    pltpu.sync_copy(xs_hbm.at[pl.ds(base, BPW)], xv)
    pltpu.sync_copy(ys_hbm.at[pl.ds(base, BPW)], yv)
    pltpu.sync_copy(rel_hbm, rv)

    cx = pltpu.async_copy(gid_hbm.at[xv], xe, sem1)
    cy = pltpu.async_copy(gid_hbm.at[yv], ye, sem2)
    cx.wait()
    cy.wait()

    ch = pltpu.async_copy(emb_hbm.at[xe], hv, sem1)
    ct = pltpu.async_copy(emb_hbm.at[ye], tv, sem2)
    ch.wait()
    ct.wait()

    rchunks = [rv[pl.ds(c * LANES, LANES)] for c in range(DIM // LANES)]
    lane_iota = lax.iota(jnp.int32, LANES)
    perms = {d: lane_iota ^ d for d in (1, 2, 4, 8)}
    masks = {d: (lane_iota & d) == 0 for d in (1, 2, 4, 8)}

    def combine(a, b, dist):
        m = masks[dist]
        w = jnp.where(m, b, a)
        _, wp = plsc.sort_key_val(perms[dist], w)
        return jnp.where(m, a, b) + wp

    def group_body(g, carry):
        svecs = []
        for p in range(LANES):
            i = g * LANES + p
            s = None
            for j in range(DIM // LANES):
                hj = hv[i, pl.ds(j * LANES, LANES)]
                tj = tv[i, pl.ds(j * LANES, LANES)]
                d = hj - tj + rchunks[j]
                s = d * d if s is None else s + d * d
            svecs.append(s)
        dist = 1
        while len(svecs) > 1:
            svecs = [combine(svecs[k], svecs[k + 1], dist)
                     for k in range(0, len(svecs), 2)]
            dist *= 2
        ov[pl.ds(g * LANES, LANES)] = _sqrt16(svecs[0])
        return carry

    lax.fori_loop(0, NGROUPS, group_body, 0)

    pltpu.sync_copy(ov, out_hbm.at[pl.ds(base, BPW)])


def kernel(data, graph_ids, entity_emb, relation_emb):
    xs = data[:, 0]
    ys = data[:, 1]
    rel = relation_emb.reshape(DIM)
    scores = _score_kernel(xs, ys, graph_ids, entity_emb, rel)
    return scores.reshape(BATCH, 1)

# --- scband reference (transcript-rebuilt; emitter-appended) ---
"""Pipeline reference for scband-evaluation-model-2284922601955 (READ-ONLY COPY).

The authoritative reference and input builder live on the scoring server;
editing this copy changes nothing except your own understanding.
"""

import jax, jax.numpy as jnp
import numpy as np

NUM_CLASSES = 1000000
NUM_ENTITIES = 1000000
EMBED_DIM = 64
BATCH = 16384


def setup_inputs(seed: int = 0) -> dict:
    key = jax.random.key(seed)
    k1, k2, k3, k4 = jax.random.split(key, 4)
    # forward arg: pairs of (ontology) class ids
    data = jax.random.randint(k1, (BATCH, 2), 0, NUM_CLASSES, dtype=jnp.int32)
    # buffer built in __init__: maps ontology class id -> graph entity id
    graph_ids = jax.random.randint(k2, (NUM_CLASSES,), 0, NUM_ENTITIES, dtype=jnp.int32)
    # learned parameters of the underlying KGE method (TransE-style)
    entity_emb = jax.random.normal(k3, (NUM_ENTITIES, EMBED_DIM), dtype=jnp.float32)
    relation_emb = jax.random.normal(k4, (1, EMBED_DIM), dtype=jnp.float32)
    return {"data": data, "graph_ids": graph_ids, "entity_emb": entity_emb, "relation_emb": relation_emb}


def reference(data, graph_ids, entity_emb, relation_emb):
    # data.shape[1] == 2 branch of the torch forward
    x = jnp.take(graph_ids, data[:, 0])  # class id -> graph entity id
    y = jnp.take(graph_ids, data[:, 1])
    # kge_method.score_hrt with TransE interaction: score = -||h + r - t||_2, shape [B, 1]
    h = jnp.take(entity_emb, x, axis=0)
    t = jnp.take(entity_emb, y, axis=0)
    r = relation_emb[0]  # single relation 'http://arrow', broadcast over the batch
    score_hrt = -jnp.linalg.norm(h + r - t, axis=-1, keepdims=True)
    scores = -score_hrt
    return scores

if __name__ == "__main__":
    import jax
    _d = setup_inputs()
    print(jax.jit(kernel)(*tuple(_d.values())))

</pallas_src>

<mosaic_0001>
#map = affine_map<(d0, d1) -> (0)>
#map1 = affine_map<(d0, d1) -> (0, 0)>
module attributes {stable_mosaic.version = 14 : i64} {
  func.func @_score_kernel(%arg0: i32, %arg1: i32, %arg2: memref<16384xi32, #tpu.memory_space<hbm>>, %arg3: memref<16384xi32, #tpu.memory_space<hbm>>, %arg4: memref<1000000xi32, #tpu.memory_space<hbm>>, %arg5: memref<1000000x64xf32, #tpu.memory_space<hbm>>, %arg6: memref<64xf32, #tpu.memory_space<hbm>>, %arg7: memref<16384xf32, #tpu.memory_space<hbm>>, %arg8: memref<512xi32, #tpu.memory_space<vmem>>, %arg9: memref<512xi32, #tpu.memory_space<vmem>>, %arg10: memref<512xi32, #tpu.memory_space<vmem>>, %arg11: memref<512xi32, #tpu.memory_space<vmem>>, %arg12: memref<512x64xf32, #tpu.memory_space<vmem>>, %arg13: memref<512x64xf32, #tpu.memory_space<vmem>>, %arg14: memref<64xf32, #tpu.memory_space<vmem>>, %arg15: memref<512xf32, #tpu.memory_space<vmem>>, %arg16: memref<!tpu.dma_semaphore, #tpu.memory_space<semaphore_mem>>, %arg17: memref<!tpu.dma_semaphore, #tpu.memory_space<semaphore_mem>>) attributes {dimension_semantics = [#tpu.dimension_semantics<core_parallel>, #tpu.dimension_semantics<subcore_parallel>], iteration_bounds = array<i64: 2, 16>, scalar_prefetch = 0 : i64, scratch_operands = 10 : i64, tpu.core_type = #tpu.core_type<sc_vector_subcore>, window_params = [{transform_indices = #map}, {transform_indices = #map}, {transform_indices = #map}, {transform_indices = #map1}, {transform_indices = #map}, {transform_indices = #map}]} {
    %mul3A = arith.constant 2 : i32
    %mul3A_0 = arith.muli %arg1, %mul3A : i32
    %add3A = arith.addi %mul3A_0, %arg0 : i32
    %mul3A_1 = arith.constant 512 : i32
    %mul3A_2 = arith.muli %add3A, %mul3A_1 : i32
    "tpu.region"() ({
      %run_scoped3A = tpu.sem_alloc : memref<!tpu.dma_semaphore, #tpu.memory_space<semaphore_mem>>
      %dma_start3A_66 = tpu.memref_slice %arg2[%mul3A_2] : memref<16384xi32, #tpu.memory_space<hbm>> -> memref<512xi32, #tpu.memory_space<hbm>>
      %dma_start3A_67 = tpu.memref_slice %arg2[%mul3A_2] : memref<16384xi32, #tpu.memory_space<hbm>> -> memref<512xi32, #tpu.memory_space<hbm>>
      tpu.enqueue_dma source(%dma_start3A_67 : memref<512xi32, #tpu.memory_space<hbm>>) target(%arg8 : memref<512xi32, #tpu.memory_space<vmem>>) target_semaphore(%run_scoped3A : memref<!tpu.dma_semaphore, #tpu.memory_space<semaphore_mem>>)
      %dma_wait3A_68 = tpu.memref_slice %arg2[%mul3A_2] : memref<16384xi32, #tpu.memory_space<hbm>> -> memref<512xi32, #tpu.memory_space<hbm>>
      %dma_wait3A_69 = tpu.memref_slice %arg2[%mul3A_2] : memref<16384xi32, #tpu.memory_space<hbm>> -> memref<512xi32, #tpu.memory_space<hbm>>
      tpu.wait_dma2 semaphore(%run_scoped3A : memref<!tpu.dma_semaphore, #tpu.memory_space<semaphore_mem>>) src(%dma_wait3A_69 : memref<512xi32, #tpu.memory_space<hbm>>) dst(%arg8 : memref<512xi32, #tpu.memory_space<vmem>>)
      tpu.yield
    }) : () -> ()
    "tpu.region"() ({
      %run_scoped3A = tpu.sem_alloc : memref<!tpu.dma_semaphore, #tpu.memory_space<semaphore_mem>>
      %dma_start3A_66 = tpu.memref_slice %arg3[%mul3A_2] : memref<16384xi32, #tpu.memory_space<hbm>> -> memref<512xi32, #tpu.memory_space<hbm>>
      %dma_start3A_67 = tpu.memref_slice %arg3[%mul3A_2] : memref<16384xi32, #tpu.memory_space<hbm>> -> memref<512xi32, #tpu.memory_space<hbm>>
      tpu.enqueue_dma source(%dma_start3A_67 : memref<512xi32, #tpu.memory_space<hbm>>) target(%arg9 : memref<512xi32, #tpu.memory_space<vmem>>) target_semaphore(%run_scoped3A : memref<!tpu.dma_semaphore, #tpu.memory_space<semaphore_mem>>)
      %dma_wait3A_68 = tpu.memref_slice %arg3[%mul3A_2] : memref<16384xi32, #tpu.memory_space<hbm>> -> memref<512xi32, #tpu.memory_space<hbm>>
      %dma_wait3A_69 = tpu.memref_slice %arg3[%mul3A_2] : memref<16384xi32, #tpu.memory_space<hbm>> -> memref<512xi32, #tpu.memory_space<hbm>>
      tpu.wait_dma2 semaphore(%run_scoped3A : memref<!tpu.dma_semaphore, #tpu.memory_space<semaphore_mem>>) src(%dma_wait3A_69 : memref<512xi32, #tpu.memory_space<hbm>>) dst(%arg9 : memref<512xi32, #tpu.memory_space<vmem>>)
      tpu.yield
    }) : () -> ()
    "tpu.region"() ({
      %run_scoped3A = tpu.sem_alloc : memref<!tpu.dma_semaphore, #tpu.memory_space<semaphore_mem>>
      tpu.enqueue_dma source(%arg6 : memref<64xf32, #tpu.memory_space<hbm>>) target(%arg14 : memref<64xf32, #tpu.memory_space<vmem>>) target_semaphore(%run_scoped3A : memref<!tpu.dma_semaphore, #tpu.memory_space<semaphore_mem>>)
      tpu.wait_dma2 semaphore(%run_scoped3A : memref<!tpu.dma_semaphore, #tpu.memory_space<semaphore_mem>>) src(%arg6 : memref<64xf32, #tpu.memory_space<hbm>>) dst(%arg14 : memref<64xf32, #tpu.memory_space<vmem>>)
      tpu.yield
    }) : () -> ()
    %dma_start3A = arith.constant 0 : i32
    %dma_start3A_3 = tpu.memref_slice %arg4[%dma_start3A] : memref<1000000xi32, #tpu.memory_space<hbm>> -> memref<1000000xi32, #tpu.memory_space<hbm>>
    tpu.enqueue_indirect_dma source(%dma_start3A_3 : memref<1000000xi32, #tpu.memory_space<hbm>>) target(%arg10 : memref<512xi32, #tpu.memory_space<vmem>>) offsets(%arg8 : memref<512xi32, #tpu.memory_space<vmem>>) semaphore(%arg16 : memref<!tpu.dma_semaphore, #tpu.memory_space<semaphore_mem>>)
    %dma_start3A_4 = arith.constant 0 : i32
    %dma_start3A_5 = tpu.memref_slice %arg4[%dma_start3A_4] : memref<1000000xi32, #tpu.memory_space<hbm>> -> memref<1000000xi32, #tpu.memory_space<hbm>>
    tpu.enqueue_indirect_dma source(%dma_start3A_5 : memref<1000000xi32, #tpu.memory_space<hbm>>) target(%arg11 : memref<512xi32, #tpu.memory_space<vmem>>) offsets(%arg9 : memref<512xi32, #tpu.memory_space<vmem>>) semaphore(%arg17 : memref<!tpu.dma_semaphore, #tpu.memory_space<semaphore_mem>>)
    %dma_wait3A = arith.constant 0 : i32
    %dma_wait3A_6 = tpu.memref_slice %arg4[%dma_wait3A] : memref<1000000xi32, #tpu.memory_space<hbm>> -> memref<1000000xi32, #tpu.memory_space<hbm>>
    tpu.wait_indirect_dma semaphore(%arg16 : memref<!tpu.dma_semaphore, #tpu.memory_space<semaphore_mem>>) src(%dma_wait3A_6 : memref<1000000xi32, #tpu.memory_space<hbm>>) dst(%arg10 : memref<512xi32, #tpu.memory_space<vmem>>)
    %dma_wait3A_7 = arith.constant 0 : i32
    %dma_wait3A_8 = tpu.memref_slice %arg4[%dma_wait3A_7] : memref<1000000xi32, #tpu.memory_space<hbm>> -> memref<1000000xi32, #tpu.memory_space<hbm>>
    tpu.wait_indirect_dma semaphore(%arg17 : memref<!tpu.dma_semaphore, #tpu.memory_space<semaphore_mem>>) src(%dma_wait3A_8 : memref<1000000xi32, #tpu.memory_space<hbm>>) dst(%arg11 : memref<512xi32, #tpu.memory_space<vmem>>)
    %dma_start3A_9 = arith.constant 0 : i32
    %dma_start3A_10 = arith.constant 0 : i32
    %dma_start3A_11 = tpu.memref_slice %arg5[%dma_start3A_9, %dma_start3A_10] : memref<1000000x64xf32, #tpu.memory_space<hbm>> -> memref<1000000x64xf32, #tpu.memory_space<hbm>>
    tpu.enqueue_indirect_dma source(%dma_start3A_11 : memref<1000000x64xf32, #tpu.memory_space<hbm>>) target(%arg12 : memref<512x64xf32, #tpu.memory_space<vmem>>) offsets(%arg10 : memref<512xi32, #tpu.memory_space<vmem>>) semaphore(%arg16 : memref<!tpu.dma_semaphore, #tpu.memory_space<semaphore_mem>>)
    %dma_start3A_12 = arith.constant 0 : i32
    %dma_start3A_13 = arith.constant 0 : i32
    %dma_start3A_14 = tpu.memref_slice %arg5[%dma_start3A_12, %dma_start3A_13] : memref<1000000x64xf32, #tpu.memory_space<hbm>> -> memref<1000000x64xf32, #tpu.memory_space<hbm>>
    tpu.enqueue_indirect_dma source(%dma_start3A_14 : memref<1000000x64xf32, #tpu.memory_space<hbm>>) target(%arg13 : memref<512x64xf32, #tpu.memory_space<vmem>>) offsets(%arg11 : memref<512xi32, #tpu.memory_space<vmem>>) semaphore(%arg17 : memref<!tpu.dma_semaphore, #tpu.memory_space<semaphore_mem>>)
    %dma_wait3A_15 = arith.constant 0 : i32
    %dma_wait3A_16 = arith.constant 0 : i32
    %dma_wait3A_17 = tpu.memref_slice %arg5[%dma_wait3A_15, %dma_wait3A_16] : memref<1000000x64xf32, #tpu.memory_space<hbm>> -> memref<1000000x64xf32, #tpu.memory_space<hbm>>
    tpu.wait_indirect_dma semaphore(%arg16 : memref<!tpu.dma_semaphore, #tpu.memory_space<semaphore_mem>>) src(%dma_wait3A_17 : memref<1000000x64xf32, #tpu.memory_space<hbm>>) dst(%arg12 : memref<512x64xf32, #tpu.memory_space<vmem>>)
    %dma_wait3A_18 = arith.constant 0 : i32
    %dma_wait3A_19 = arith.constant 0 : i32
    %dma_wait3A_20 = tpu.memref_slice %arg5[%dma_wait3A_18, %dma_wait3A_19] : memref<1000000x64xf32, #tpu.memory_space<hbm>> -> memref<1000000x64xf32, #tpu.memory_space<hbm>>
    tpu.wait_indirect_dma semaphore(%arg17 : memref<!tpu.dma_semaphore, #tpu.memory_space<semaphore_mem>>) src(%dma_wait3A_20 : memref<1000000x64xf32, #tpu.memory_space<hbm>>) dst(%arg13 : memref<512x64xf32, #tpu.memory_space<vmem>>)
    %get3A = arith.constant 0 : index
    %get3A_21 = tpu.vector_load %arg14[%get3A] {strides = array<i32>} : memref<64xf32, #tpu.memory_space<vmem>>, vector<16xf32>,
    %get3A_22 = arith.constant 16 : index
    %get3A_23 = tpu.vector_load %arg14[%get3A_22] {strides = array<i32>} : memref<64xf32, #tpu.memory_space<vmem>>, vector<16xf32>,
    %get3A_24 = arith.constant 32 : index
    %get3A_25 = tpu.vector_load %arg14[%get3A_24] {strides = array<i32>} : memref<64xf32, #tpu.memory_space<vmem>>, vector<16xf32>,
    %get3A_26 = arith.constant 48 : index
    %get3A_27 = tpu.vector_load %arg14[%get3A_26] {strides = array<i32>} : memref<64xf32, #tpu.memory_space<vmem>>, vector<16xf32>,
    %iota3A = tpu.iota {dimensions = array<i32: 0>} : vector<16xi32>
    %xor3A = arith.constant 1 : i32
    %xor3A_28 = vector.broadcast %xor3A : i32 to vector<16xi32>
    %xor3A_29 = arith.xori %iota3A, %xor3A_28 : vector<16xi32>
    %xor3A_30 = arith.constant 2 : i32
    %xor3A_31 = vector.broadcast %xor3A_30 : i32 to vector<16xi32>
    %xor3A_32 = arith.xori %iota3A, %xor3A_31 : vector<16xi32>
    %xor3A_33 = arith.constant 4 : i32
    %xor3A_34 = vector.broadcast %xor3A_33 : i32 to vector<16xi32>
    %xor3A_35 = arith.xori %iota3A, %xor3A_34 : vector<16xi32>
    %xor3A_36 = arith.constant 8 : i32
    %xor3A_37 = vector.broadcast %xor3A_36 : i32 to vector<16xi32>
    %xor3A_38 = arith.xori %iota3A, %xor3A_37 : vector<16xi32>
    %and3A = arith.constant 1 : i32
    %and3A_39 = vector.broadcast %and3A : i32 to vector<16xi32>
    %and3A_40 = arith.andi %iota3A, %and3A_39 : vector<16xi32>
    %eq3A = arith.constant 0 : i32
    %eq3A_41 = vector.broadcast %eq3A : i32 to vector<16xi32>
    %eq3A_42 = arith.cmpi eq, %and3A_40, %eq3A_41 : vector<16xi32>
    %and3A_43 = arith.constant 2 : i32
    %and3A_44 = vector.broadcast %and3A_43 : i32 to vector<16xi32>
    %and3A_45 = arith.andi %iota3A, %and3A_44 : vector<16xi32>
    %eq3A_46 = arith.constant 0 : i32
    %eq3A_47 = vector.broadcast %eq3A_46 : i32 to vector<16xi32>
    %eq3A_48 = arith.cmpi eq, %and3A_45, %eq3A_47 : vector<16xi32>
    %and3A_49 = arith.constant 4 : i32
    %and3A_50 = vector.broadcast %and3A_49 : i32 to vector<16xi32>
    %and3A_51 = arith.andi %iota3A, %and3A_50 : vector<16xi32>
    %eq3A_52 = arith.constant 0 : i32
    %eq3A_53 = vector.broadcast %eq3A_52 : i32 to vector<16xi32>
    %eq3A_54 = arith.cmpi eq, %and3A_51, %eq3A_53 : vector<16xi32>
    %and3A_55 = arith.constant 8 : i32
    %and3A_56 = vector.broadcast %and3A_55 : i32 to vector<16xi32>
    %and3A_57 = arith.andi %iota3A, %and3A_56 : vector<16xi32>
    %eq3A_58 = arith.constant 0 : i32
    %eq3A_59 = vector.broadcast %eq3A_58 : i32 to vector<16xi32>
    %eq3A_60 = arith.cmpi eq, %and3A_57, %eq3A_59 : vector<16xi32>
    %scan3A = arith.constant 0 : i32
    %scan3A_61 = arith.constant 0 : i32
    %scan3A_62 = arith.constant 32 : i32
    %scan3A_63 = arith.addi %scan3A_61, %scan3A_62 : i32
    %scan3A_64 = arith.constant 1 : i32
    scf.for %scan3A_66 = %scan3A_61 to %scan3A_63 step %scan3A_64  : i32 {
      %mul3A_67 = arith.constant 16 : i32
      %mul3A_68 = arith.muli %scan3A_66, %mul3A_67 : i32
      %add3A_69 = arith.constant 0 : i32
      %add3A_70 = arith.addi %mul3A_68, %add3A_69 : i32
      %get3A_71 = arith.index_cast %add3A_70 : i32 to index
      %get3A_72 = arith.constant 0 : index
      %get3A_73 = tpu.vector_load %arg12[%get3A_71, %get3A_72] {strides = array<i32>} : memref<512x64xf32, #tpu.memory_space<vmem>>, vector<16xf32>,
      %get3A_74 = arith.index_cast %add3A_70 : i32 to index
      %get3A_75 = arith.constant 0 : index
      %get3A_76 = tpu.vector_load %arg13[%get3A_74, %get3A_75] {strides = array<i32>} : memref<512x64xf32, #tpu.memory_space<vmem>>, vector<16xf32>,
      %sub3A = arith.subf %get3A_73, %get3A_76 : vector<16xf32>
      %add3A_77 = arith.addf %sub3A, %get3A_21 : vector<16xf32>
      %mul3A_78 = arith.mulf %add3A_77, %add3A_77 : vector<16xf32>
      %get3A_79 = arith.index_cast %add3A_70 : i32 to index
      %get3A_80 = arith.constant 16 : index
      %get3A_81 = tpu.vector_load %arg12[%get3A_79, %get3A_80] {strides = array<i32>} : memref<512x64xf32, #tpu.memory_space<vmem>>, vector<16xf32>,
      %get3A_82 = arith.index_cast %add3A_70 : i32 to index
      %get3A_83 = arith.constant 16 : index
      %get3A_84 = tpu.vector_load %arg13[%get3A_82, %get3A_83] {strides = array<i32>} : memref<512x64xf32, #tpu.memory_space<vmem>>, vector<16xf32>,
      %sub3A_85 = arith.subf %get3A_81, %get3A_84 : vector<16xf32>
      %add3A_86 = arith.addf %sub3A_85, %get3A_23 : vector<16xf32>
      %mul3A_87 = arith.mulf %add3A_86, %add3A_86 : vector<16xf32>
      %add3A_88 = arith.addf %mul3A_78, %mul3A_87 : vector<16xf32>
      %get3A_89 = arith.index_cast %add3A_70 : i32 to index
      %get3A_90 = arith.constant 32 : index
      %get3A_91 = tpu.vector_load %arg12[%get3A_89, %get3A_90] {strides = array<i32>} : memref<512x64xf32, #tpu.memory_space<vmem>>, vector<16xf32>,
      %get3A_92 = arith.index_cast %add3A_70 : i32 to index
      %get3A_93 = arith.constant 32 : index
      %get3A_94 = tpu.vector_load %arg13[%get3A_92, %get3A_93] {strides = array<i32>} : memref<512x64xf32, #tpu.memory_space<vmem>>, vector<16xf32>,
      %sub3A_95 = arith.subf %get3A_91, %get3A_94 : vector<16xf32>
      %add3A_96 = arith.addf %sub3A_95, %get3A_25 : vector<16xf32>
      %mul3A_97 = arith.mulf %add3A_96, %add3A_96 : vector<16xf32>
      %add3A_98 = arith.addf %add3A_88, %mul3A_97 : vector<16xf32>
      %get3A_99 = arith.index_cast %add3A_70 : i32 to index
      %get3A_100 = arith.constant 48 : index
      %get3A_101 = tpu.vector_load %arg12[%get3A_99, %get3A_100] {strides = array<i32>} : memref<512x64xf32, #tpu.memory_space<vmem>>, vector<16xf32>,
      %get3A_102 = arith.index_cast %add3A_70 : i32 to index
      %get3A_103 = arith.constant 48 : index
      %get3A_104 = tpu.vector_load %arg13[%get3A_102, %get3A_103] {strides = array<i32>} : memref<512x64xf32, #tpu.memory_space<vmem>>, vector<16xf32>,
      %sub3A_105 = arith.subf %get3A_101, %get3A_104 : vector<16xf32>
      %add3A_106 = arith.addf %sub3A_105, %get3A_27 : vector<16xf32>
      %mul3A_107 = arith.mulf %add3A_106, %add3A_106 : vector<16xf32>
      %add3A_108 = arith.addf %add3A_98, %mul3A_107 : vector<16xf32>
      %mul3A_109 = arith.constant 16 : i32
      %mul3A_110 = arith.muli %scan3A_66, %mul3A_109 : i32
      %add3A_111 = arith.constant 1 : i32
      %add3A_112 = arith.addi %mul3A_110, %add3A_111 : i32
      %get3A_113 = arith.index_cast %add3A_112 : i32 to index
      %get3A_114 = arith.constant 0 : index
      %get3A_115 = tpu.vector_load %arg12[%get3A_113, %get3A_114] {strides = array<i32>} : memref<512x64xf32, #tpu.memory_space<vmem>>, vector<16xf32>,
      %get3A_116 = arith.index_cast %add3A_112 : i32 to index
      %get3A_117 = arith.constant 0 : index
      %get3A_118 = tpu.vector_load %arg13[%get3A_116, %get3A_117] {strides = array<i32>} : memref<512x64xf32, #tpu.memory_space<vmem>>, vector<16xf32>,
      %sub3A_119 = arith.subf %get3A_115, %get3A_118 : vector<16xf32>
      %add3A_120 = arith.addf %sub3A_119, %get3A_21 : vector<16xf32>
      %mul3A_121 = arith.mulf %add3A_120, %add3A_120 : vector<16xf32>
      %get3A_122 = arith.index_cast %add3A_112 : i32 to index
      %get3A_123 = arith.constant 16 : index
      %get3A_124 = tpu.vector_load %arg12[%get3A_122, %get3A_123] {strides = array<i32>} : memref<512x64xf32, #tpu.memory_space<vmem>>, vector<16xf32>,
      %get3A_125 = arith.index_cast %add3A_112 : i32 to index
      %get3A_126 = arith.constant 16 : index
      %get3A_127 = tpu.vector_load %arg13[%get3A_125, %get3A_126] {strides = array<i32>} : memref<512x64xf32, #tpu.memory_space<vmem>>, vector<16xf32>,
      %sub3A_128 = arith.subf %get3A_124, %get3A_127 : vector<16xf32>
      %add3A_129 = arith.addf %sub3A_128, %get3A_23 : vector<16xf32>
      %mul3A_130 = arith.mulf %add3A_129, %add3A_129 : vector<16xf32>
      %add3A_131 = arith.addf %mul3A_121, %mul3A_130 : vector<16xf32>
      %get3A_132 = arith.index_cast %add3A_112 : i32 to index
      %get3A_133 = arith.constant 32 : index
      %get3A_134 = tpu.vector_load %arg12[%get3A_132, %get3A_133] {strides = array<i32>} : memref<512x64xf32, #tpu.memory_space<vmem>>, vector<16xf32>,
      %get3A_135 = arith.index_cast %add3A_112 : i32 to index
      %get3A_136 = arith.constant 32 : index
      %get3A_137 = tpu.vector_load %arg13[%get3A_135, %get3A_136] {strides = array<i32>} : memref<512x64xf32, #tpu.memory_space<vmem>>, vector<16xf32>,
      %sub3A_138 = arith.subf %get3A_134, %get3A_137 : vector<16xf32>
      %add3A_139 = arith.addf %sub3A_138, %get3A_25 : vector<16xf32>
      %mul3A_140 = arith.mulf %add3A_139, %add3A_139 : vector<16xf32>
      %add3A_141 = arith.addf %add3A_131, %mul3A_140 : vector<16xf32>
      %get3A_142 = arith.index_cast %add3A_112 : i32 to index
      %get3A_143 = arith.constant 48 : index
      %get3A_144 = tpu.vector_load %arg12[%get3A_142, %get3A_143] {strides = array<i32>} : memref<512x64xf32, #tpu.memory_space<vmem>>, vector<16xf32>,
      %get3A_145 = arith.index_cast %add3A_112 : i32 to index
      %get3A_146 = arith.constant 48 : index
      %get3A_147 = tpu.vector_load %arg13[%get3A_145, %get3A_146] {strides = array<i32>} : memref<512x64xf32, #tpu.memory_space<vmem>>, vector<16xf32>,
      %sub3A_148 = arith.subf %get3A_144, %get3A_147 : vector<16xf32>
      %add3A_149 = arith.addf %sub3A_148, %get3A_27 : vector<16xf32>
      %mul3A_150 = arith.mulf %add3A_149, %add3A_149 : vector<16xf32>
      %add3A_151 = arith.addf %add3A_141, %mul3A_150 : vector<16xf32>
      %mul3A_152 = arith.constant 16 : i32
      %mul3A_153 = arith.muli %scan3A_66, %mul3A_152 : i32
      %add3A_154 = arith.constant 2 : i32
      %add3A_155 = arith.addi %mul3A_153, %add3A_154 : i32
      %get3A_156 = arith.index_cast %add3A_155 : i32 to index
      %get3A_157 = arith.constant 0 : index
      %get3A_158 = tpu.vector_load %arg12[%get3A_156, %get3A_157] {strides = array<i32>} : memref<512x64xf32, #tpu.memory_space<vmem>>, vector<16xf32>,
      %get3A_159 = arith.index_cast %add3A_155 : i32 to index
      %get3A_160 = arith.constant 0 : index
      %get3A_161 = tpu.vector_load %arg13[%get3A_159, %get3A_160] {strides = array<i32>} : memref<512x64xf32, #tpu.memory_space<vmem>>, vector<16xf32>,
      %sub3A_162 = arith.subf %get3A_158, %get3A_161 : vector<16xf32>
      %add3A_163 = arith.addf %sub3A_162, %get3A_21 : vector<16xf32>
      %mul3A_164 = arith.mulf %add3A_163, %add3A_163 : vector<16xf32>
      %get3A_165 = arith.index_cast %add3A_155 : i32 to index
      %get3A_166 = arith.constant 16 : index
      %get3A_167 = tpu.vector_load %arg12[%get3A_165, %get3A_166] {strides = array<i32>} : memref<512x64xf32, #tpu.memory_space<vmem>>, vector<16xf32>,
      %get3A_168 = arith.index_cast %add3A_155 : i32 to index
      %get3A_169 = arith.constant 16 : index
      %get3A_170 = tpu.vector_load %arg13[%get3A_168, %get3A_169] {strides = array<i32>} : memref<512x64xf32, #tpu.memory_space<vmem>>, vector<16xf32>,
      %sub3A_171 = arith.subf %get3A_167, %get3A_170 : vector<16xf32>
      %add3A_172 = arith.addf %sub3A_171, %get3A_23 : vector<16xf32>
      %mul3A_173 = arith.mulf %add3A_172, %add3A_172 : vector<16xf32>
      %add3A_174 = arith.addf %mul3A_164, %mul3A_173 : vector<16xf32>
      %get3A_175 = arith.index_cast %add3A_155 : i32 to index
      %get3A_176 = arith.constant 32 : index
      %get3A_177 = tpu.vector_load %arg12[%get3A_175, %get3A_176] {strides = array<i32>} : memref<512x64xf32, #tpu.memory_space<vmem>>, vector<16xf32>,
      %get3A_178 = arith.index_cast %add3A_155 : i32 to index
      %get3A_179 = arith.constant 32 : index
      %get3A_180 = tpu.vector_load %arg13[%get3A_178, %get3A_179] {strides = array<i32>} : memref<512x64xf32, #tpu.memory_space<vmem>>, vector<16xf32>,
      %sub3A_181 = arith.subf %get3A_177, %get3A_180 : vector<16xf32>
      %add3A_182 = arith.addf %sub3A_181, %get3A_25 : vector<16xf32>
      %mul3A_183 = arith.mulf %add3A_182, %add3A_182 : vector<16xf32>
      %add3A_184 = arith.addf %add3A_174, %mul3A_183 : vector<16xf32>
      %get3A_185 = arith.index_cast %add3A_155 : i32 to index
      %get3A_186 = arith.constant 48 : index
      %get3A_187 = tpu.vector_load %arg12[%get3A_185, %get3A_186] {strides = array<i32>} : memref<512x64xf32, #tpu.memory_space<vmem>>, vector<16xf32>,
      %get3A_188 = arith.index_cast %add3A_155 : i32 to index
      %get3A_189 = arith.constant 48 : index
      %get3A_190 = tpu.vector_load %arg13[%get3A_188, %get3A_189] {strides = array<i32>} : memref<512x64xf32, #tpu.memory_space<vmem>>, vector<16xf32>,
      %sub3A_191 = arith.subf %get3A_187, %get3A_190 : vector<16xf32>
      %add3A_192 = arith.addf %sub3A_191, %get3A_27 : vector<16xf32>
      %mul3A_193 = arith.mulf %add3A_192, %add3A_192 : vector<16xf32>
      %add3A_194 = arith.addf %add3A_184, %mul3A_193 : vector<16xf32>
      %mul3A_195 = arith.constant 16 : i32
      %mul3A_196 = arith.muli %scan3A_66, %mul3A_195 : i32
      %add3A_197 = arith.constant 3 : i32
      %add3A_198 = arith.addi %mul3A_196, %add3A_197 : i32
      %get3A_199 = arith.index_cast %add3A_198 : i32 to index
      %get3A_200 = arith.constant 0 : index
      %get3A_201 = tpu.vector_load %arg12[%get3A_199, %get3A_200] {strides = array<i32>} : memref<512x64xf32, #tpu.memory_space<vmem>>, vector<16xf32>,
      %get3A_202 = arith.index_cast %add3A_198 : i32 to index
      %get3A_203 = arith.constant 0 : index
      %get3A_204 = tpu.vector_load %arg13[%get3A_202, %get3A_203] {strides = array<i32>} : memref<512x64xf32, #tpu.memory_space<vmem>>, vector<16xf32>,
      %sub3A_205 = arith.subf %get3A_201, %get3A_204 : vector<16xf32>
      %add3A_206 = arith.addf %sub3A_205, %get3A_21 : vector<16xf32>
      %mul3A_207 = arith.mulf %add3A_206, %add3A_206 : vector<16xf32>
      %get3A_208 = arith.index_cast %add3A_198 : i32 to index
      %get3A_209 = arith.constant 16 : index
      %get3A_210 = tpu.vector_load %arg12[%get3A_208, %get3A_209] {strides = array<i32>} : memref<512x64xf32, #tpu.memory_space<vmem>>, vector<16xf32>,
      %get3A_211 = arith.index_cast %add3A_198 : i32 to index
      %get3A_212 = arith.constant 16 : index
      %get3A_213 = tpu.vector_load %arg13[%get3A_211, %get3A_212] {strides = array<i32>} : memref<512x64xf32, #tpu.memory_space<vmem>>, vector<16xf32>,
      %sub3A_214 = arith.subf %get3A_210, %get3A_213 : vector<16xf32>
      %add3A_215 = arith.addf %sub3A_214, %get3A_23 : vector<16xf32>
      %mul3A_216 = arith.mulf %add3A_215, %add3A_215 : vector<16xf32>
      %add3A_217 = arith.addf %mul3A_207, %mul3A_216 : vector<16xf32>
      %get3A_218 = arith.index_cast %add3A_198 : i32 to index
      %get3A_219 = arith.constant 32 : index
      %get3A_220 = tpu.vector_load %arg12[%get3A_218, %get3A_219] {strides = array<i32>} : memref<512x64xf32, #tpu.memory_space<vmem>>, vector<16xf32>,
      %get3A_221 = arith.index_cast %add3A_198 : i32 to index
      %get3A_222 = arith.constant 32 : index
      %get3A_223 = tpu.vector_load %arg13[%get3A_221, %get3A_222] {strides = array<i32>} : memref<512x64xf32, #tpu.memory_space<vmem>>, vector<16xf32>,
      %sub3A_224 = arith.subf %get3A_220, %get3A_223 : vector<16xf32>
      %add3A_225 = arith.addf %sub3A_224, %get3A_25 : vector<16xf32>
      %mul3A_226 = arith.mulf %add3A_225, %add3A_225 : vector<16xf32>
      %add3A_227 = arith.addf %add3A_217, %mul3A_226 : vector<16xf32>
      %get3A_228 = arith.index_cast %add3A_198 : i32 to index
      %get3A_229 = arith.constant 48 : index
      %get3A_230 = tpu.vector_load %arg12[%get3A_228, %get3A_229] {strides = array<i32>} : memref<512x64xf32, #tpu.memory_space<vmem>>, vector<16xf32>,
      %get3A_231 = arith.index_cast %add3A_198 : i32 to index
      %get3A_232 = arith.constant 48 : index
      %get3A_233 = tpu.vector_load %arg13[%get3A_231, %get3A_232] {strides = array<i32>} : memref<512x64xf32, #tpu.memory_space<vmem>>, vector<16xf32>,
      %sub3A_234 = arith.subf %get3A_230, %get3A_233 : vector<16xf32>
      %add3A_235 = arith.addf %sub3A_234, %get3A_27 : vector<16xf32>
      %mul3A_236 = arith.mulf %add3A_235, %add3A_235 : vector<16xf32>
      %add3A_237 = arith.addf %add3A_227, %mul3A_236 : vector<16xf32>
      %mul3A_238 = arith.constant 16 : i32
      %mul3A_239 = arith.muli %scan3A_66, %mul3A_238 : i32
      %add3A_240 = arith.constant 4 : i32
      %add3A_241 = arith.addi %mul3A_239, %add3A_240 : i32
      %get3A_242 = arith.index_cast %add3A_241 : i32 to index
      %get3A_243 = arith.constant 0 : index
      %get3A_244 = tpu.vector_load %arg12[%get3A_242, %get3A_243] {strides = array<i32>} : memref<512x64xf32, #tpu.memory_space<vmem>>, vector<16xf32>,
      %get3A_245 = arith.index_cast %add3A_241 : i32 to index
      %get3A_246 = arith.constant 0 : index
      %get3A_247 = tpu.vector_load %arg13[%get3A_245, %get3A_246] {strides = array<i32>} : memref<512x64xf32, #tpu.memory_space<vmem>>, vector<16xf32>,
      %sub3A_248 = arith.subf %get3A_244, %get3A_247 : vector<16xf32>
      %add3A_249 = arith.addf %sub3A_248, %get3A_21 : vector<16xf32>
      %mul3A_250 = arith.mulf %add3A_249, %add3A_249 : vector<16xf32>
      %get3A_251 = arith.index_cast %add3A_241 : i32 to index
      %get3A_252 = arith.constant 16 : index
      %get3A_253 = tpu.vector_load %arg12[%get3A_251, %get3A_252] {strides = array<i32>} : memref<512x64xf32, #tpu.memory_space<vmem>>, vector<16xf32>,
      %get3A_254 = arith.index_cast %add3A_241 : i32 to index
      %get3A_255 = arith.constant 16 : index
      %get3A_256 = tpu.vector_load %arg13[%get3A_254, %get3A_255] {strides = array<i32>} : memref<512x64xf32, #tpu.memory_space<vmem>>, vector<16xf32>,
      %sub3A_257 = arith.subf %get3A_253, %get3A_256 : vector<16xf32>
      %add3A_258 = arith.addf %sub3A_257, %get3A_23 : vector<16xf32>
      %mul3A_259 = arith.mulf %add3A_258, %add3A_258 : vector<16xf32>
      %add3A_260 = arith.addf %mul3A_250, %mul3A_259 : vector<16xf32>
      %get3A_261 = arith.index_cast %add3A_241 : i32 to index
      %get3A_262 = arith.constant 32 : index
      %get3A_263 = tpu.vector_load %arg12[%get3A_261, %get3A_262] {strides = array<i32>} : memref<512x64xf32, #tpu.memory_space<vmem>>, vector<16xf32>,
      %get3A_264 = arith.index_cast %add3A_241 : i32 to index
      %get3A_265 = arith.constant 32 : index
      %get3A_266 = tpu.vector_load %arg13[%get3A_264, %get3A_265] {strides = array<i32>} : memref<512x64xf32, #tpu.memory_space<vmem>>, vector<16xf32>,
      %sub3A_267 = arith.subf %get3A_263, %get3A_266 : vector<16xf32>
      %add3A_268 = arith.addf %sub3A_267, %get3A_25 : vector<16xf32>
      %mul3A_269 = arith.mulf %add3A_268, %add3A_268 : vector<16xf32>
      %add3A_270 = arith.addf %add3A_260, %mul3A_269 : vector<16xf32>
      %get3A_271 = arith.index_cast %add3A_241 : i32 to index
      %get3A_272 = arith.constant 48 : index
      %get3A_273 = tpu.vector_load %arg12[%get3A_271, %get3A_272] {strides = array<i32>} : memref<512x64xf32, #tpu.memory_space<vmem>>, vector<16xf32>,
      %get3A_274 = arith.index_cast %add3A_241 : i32 to index
      %get3A_275 = arith.constant 48 : index
      %get3A_276 = tpu.vector_load %arg13[%get3A_274, %get3A_275] {strides = array<i32>} : memref<512x64xf32, #tpu.memory_space<vmem>>, vector<16xf32>,
      %sub3A_277 = arith.subf %get3A_273, %get3A_276 : vector<16xf32>
      %add3A_278 = arith.addf %sub3A_277, %get3A_27 : vector<16xf32>
      %mul3A_279 = arith.mulf %add3A_278, %add3A_278 : vector<16xf32>
      %add3A_280 = arith.addf %add3A_270, %mul3A_279 : vector<16xf32>
      %mul3A_281 = arith.constant 16 : i32
      %mul3A_282 = arith.muli %scan3A_66, %mul3A_281 : i32
      %add3A_283 = arith.constant 5 : i32
      %add3A_284 = arith.addi %mul3A_282, %add3A_283 : i32
      %get3A_285 = arith.index_cast %add3A_284 : i32 to index
      %get3A_286 = arith.constant 0 : index
      %get3A_287 = tpu.vector_load %arg12[%get3A_285, %get3A_286] {strides = array<i32>} : memref<512x64xf32, #tpu.memory_space<vmem>>, vector<16xf32>,
      %get3A_288 = arith.index_cast %add3A_284 : i32 to index
      %get3A_289 = arith.constant 0 : index
      %get3A_290 = tpu.vector_load %arg13[%get3A_288, %get3A_289] {strides = array<i32>} : memref<512x64xf32, #tpu.memory_space<vmem>>, vector<16xf32>,
      %sub3A_291 = arith.subf %get3A_287, %get3A_290 : vector<16xf32>
      %add3A_292 = arith.addf %sub3A_291, %get3A_21 : vector<16xf32>
      %mul3A_293 = arith.mulf %add3A_292, %add3A_292 : vector<16xf32>
      %get3A_294 = arith.index_cast %add3A_284 : i32 to index
      %get3A_295 = arith.constant 16 : index
      %get3A_296 = tpu.vector_load %arg12[%get3A_294, %get3A_295] {strides = array<i32>} : memref<512x64xf32, #tpu.memory_space<vmem>>, vector<16xf32>,
      %get3A_297 = arith.index_cast %add3A_284 : i32 to index
      %get3A_298 = arith.constant 16 : index
      %get3A_299 = tpu.vector_load %arg13[%get3A_297, %get3A_298] {strides = array<i32>} : memref<512x64xf32, #tpu.memory_space<vmem>>, vector<16xf32>,
      %sub3A_300 = arith.subf %get3A_296, %get3A_299 : vector<16xf32>
      %add3A_301 = arith.addf %sub3A_300, %get3A_23 : vector<16xf32>
      %mul3A_302 = arith.mulf %add3A_301, %add3A_301 : vector<16xf32>
      %add3A_303 = arith.addf %mul3A_293, %mul3A_302 : vector<16xf32>
      %get3A_304 = arith.index_cast %add3A_284 : i32 to index
      %get3A_305 = arith.constant 32 : index
      %get3A_306 = tpu.vector_load %arg12[%get3A_304, %get3A_305] {strides = array<i32>} : memref<512x64xf32, #tpu.memory_space<vmem>>, vector<16xf32>,
      %get3A_307 = arith.index_cast %add3A_284 : i32 to index
      %get3A_308 = arith.constant 32 : index
      %get3A_309 = tpu.vector_load %arg13[%get3A_307, %get3A_308] {strides = array<i32>} : memref<512x64xf32, #tpu.memory_space<vmem>>, vector<16xf32>,
      %sub3A_310 = arith.subf %get3A_306, %get3A_309 : vector<16xf32>
      %add3A_311 = arith.addf %sub3A_310, %get3A_25 : vector<16xf32>
      %mul3A_312 = arith.mulf %add3A_311, %add3A_311 : vector<16xf32>
      %add3A_313 = arith.addf %add3A_303, %mul3A_312 : vector<16xf32>
      %get3A_314 = arith.index_cast %add3A_284 : i32 to index
      %get3A_315 = arith.constant 48 : index
      %get3A_316 = tpu.vector_load %arg12[%get3A_314, %get3A_315] {strides = array<i32>} : memref<512x64xf32, #tpu.memory_space<vmem>>, vector<16xf32>,
      %get3A_317 = arith.index_cast %add3A_284 : i32 to index
      %get3A_318 = arith.constant 48 : index
      %get3A_319 = tpu.vector_load %arg13[%get3A_317, %get3A_318] {strides = array<i32>} : memref<512x64xf32, #tpu.memory_space<vmem>>, vector<16xf32>,
      %sub3A_320 = arith.subf %get3A_316, %get3A_319 : vector<16xf32>
      %add3A_321 = arith.addf %sub3A_320, %get3A_27 : vector<16xf32>
      %mul3A_322 = arith.mulf %add3A_321, %add3A_321 : vector<16xf32>
      %add3A_323 = arith.addf %add3A_313, %mul3A_322 : vector<16xf32>
      %mul3A_324 = arith.constant 16 : i32
      %mul3A_325 = arith.muli %scan3A_66, %mul3A_324 : i32
      %add3A_326 = arith.constant 6 : i32
      %add3A_327 = arith.addi %mul3A_325, %add3A_326 : i32
      %get3A_328 = arith.index_cast %add3A_327 : i32 to index
      %get3A_329 = arith.constant 0 : index
      %get3A_330 = tpu.vector_load %arg12[%get3A_328, %get3A_329] {strides = array<i32>} : memref<512x64xf32, #tpu.memory_space<vmem>>, vector<16xf32>,
      %get3A_331 = arith.index_cast %add3A_327 : i32 to index
      %get3A_332 = arith.constant 0 : index
      %get3A_333 = tpu.vector_load %arg13[%get3A_331, %get3A_332] {strides = array<i32>} : memref<512x64xf32, #tpu.memory_space<vmem>>, vector<16xf32>,
      %sub3A_334 = arith.subf %get3A_330, %get3A_333 : vector<16xf32>
      %add3A_335 = arith.addf %sub3A_334, %get3A_21 : vector<16xf32>
      %mul3A_336 = arith.mulf %add3A_335, %add3A_335 : vector<16xf32>
      %get3A_337 = arith.index_cast %add3A_327 : i32 to index
      %get3A_338 = arith.constant 16 : index
      %get3A_339 = tpu.vector_load %arg12[%get3A_337, %get3A_338] {strides = array<i32>} : memref<512x64xf32, #tpu.memory_space<vmem>>, vector<16xf32>,
      %get3A_340 = arith.index_cast %add3A_327 : i32 to index
      %get3A_341 = arith.constant 16 : index
      %get3A_342 = tpu.vector_load %arg13[%get3A_340, %get3A_341] {strides = array<i32>} : memref<512x64xf32, #tpu.memory_space<vmem>>, vector<16xf32>,
      %sub3A_343 = arith.subf %get3A_339, %get3A_342 : vector<16xf32>
      %add3A_344 = arith.addf %sub3A_343, %get3A_23 : vector<16xf32>
      %mul3A_345 = arith.mulf %add3A_344, %add3A_344 : vector<16xf32>
      %add3A_346 = arith.addf %mul3A_336, %mul3A_345 : vector<16xf32>
      %get3A_347 = arith.index_cast %add3A_327 : i32 to index
      %get3A_348 = arith.constant 32 : index
      %get3A_349 = tpu.vector_load %arg12[%get3A_347, %get3A_348] {strides = array<i32>} : memref<512x64xf32, #tpu.memory_space<vmem>>, vector<16xf32>,
      %get3A_350 = arith.index_cast %add3A_327 : i32 to index
      %get3A_351 = arith.constant 32 : index
      %get3A_352 = tpu.vector_load %arg13[%get3A_350, %get3A_351] {strides = array<i32>} : memref<512x64xf32, #tpu.memory_space<vmem>>, vector<16xf32>,
      %sub3A_353 = arith.subf %get3A_349, %get3A_352 : vector<16xf32>
      %add3A_354 = arith.addf %sub3A_353, %get3A_25 : vector<16xf32>
      %mul3A_355 = arith.mulf %add3A_354, %add3A_354 : vector<16xf32>
      %add3A_356 = arith.addf %add3A_346, %mul3A_355 : vector<16xf32>
      %get3A_357 = arith.index_cast %add3A_327 : i32 to index
      %get3A_358 = arith.constant 48 : index
      %get3A_359 = tpu.vector_load %arg12[%get3A_357, %get3A_358] {strides = array<i32>} : memref<512x64xf32, #tpu.memory_space<vmem>>, vector<16xf32>,
      %get3A_360 = arith.index_cast %add3A_327 : i32 to index
      %get3A_361 = arith.constant 48 : index
      %get3A_362 = tpu.vector_load %arg13[%get3A_360, %get3A_361] {strides = array<i32>} : memref<512x64xf32, #tpu.memory_space<vmem>>, vector<16xf32>,
      %sub3A_363 = arith.subf %get3A_359, %get3A_362 : vector<16xf32>
      %add3A_364 = arith.addf %sub3A_363, %get3A_27 : vector<16xf32>
      %mul3A_365 = arith.mulf %add3A_364, %add3A_364 : vector<16xf32>
      %add3A_366 = arith.addf %add3A_356, %mul3A_365 : vector<16xf32>
      %mul3A_367 = arith.constant 16 : i32
      %mul3A_368 = arith.muli %scan3A_66, %mul3A_367 : i32
      %add3A_369 = arith.constant 7 : i32
      %add3A_370 = arith.addi %mul3A_368, %add3A_369 : i32
      %get3A_371 = arith.index_cast %add3A_370 : i32 to index
      %get3A_372 = arith.constant 0 : index
      %get3A_373 = tpu.vector_load %arg12[%get3A_371, %get3A_372] {strides = array<i32>} : memref<512x64xf32, #tpu.memory_space<vmem>>, vector<16xf32>,
      %get3A_374 = arith.index_cast %add3A_370 : i32 to index
      %get3A_375 = arith.constant 0 : index
      %get3A_376 = tpu.vector_load %arg13[%get3A_374, %get3A_375] {strides = array<i32>} : memref<512x64xf32, #tpu.memory_space<vmem>>, vector<16xf32>,
      %sub3A_377 = arith.subf %get3A_373, %get3A_376 : vector<16xf32>
      %add3A_378 = arith.addf %sub3A_377, %get3A_21 : vector<16xf32>
      %mul3A_379 = arith.mulf %add3A_378, %add3A_378 : vector<16xf32>
      %get3A_380 = arith.index_cast %add3A_370 : i32 to index
      %get3A_381 = arith.constant 16 : index
      %get3A_382 = tpu.vector_load %arg12[%get3A_380, %get3A_381] {strides = array<i32>} : memref<512x64xf32, #tpu.memory_space<vmem>>, vector<16xf32>,
      %get3A_383 = arith.index_cast %add3A_370 : i32 to index
      %get3A_384 = arith.constant 16 : index
      %get3A_385 = tpu.vector_load %arg13[%get3A_383, %get3A_384] {strides = array<i32>} : memref<512x64xf32, #tpu.memory_space<vmem>>, vector<16xf32>,
      %sub3A_386 = arith.subf %get3A_382, %get3A_385 : vector<16xf32>
      %add3A_387 = arith.addf %sub3A_386, %get3A_23 : vector<16xf32>
      %mul3A_388 = arith.mulf %add3A_387, %add3A_387 : vector<16xf32>
      %add3A_389 = arith.addf %mul3A_379, %mul3A_388 : vector<16xf32>
      %get3A_390 = arith.index_cast %add3A_370 : i32 to index
      %get3A_391 = arith.constant 32 : index
      %get3A_392 = tpu.vector_load %arg12[%get3A_390, %get3A_391] {strides = array<i32>} : memref<512x64xf32, #tpu.memory_space<vmem>>, vector<16xf32>,
      %get3A_393 = arith.index_cast %add3A_370 : i32 to index
      %get3A_394 = arith.constant 32 : index
      %get3A_395 = tpu.vector_load %arg13[%get3A_393, %get3A_394] {strides = array<i32>} : memref<512x64xf32, #tpu.memory_space<vmem>>, vector<16xf32>,
      %sub3A_396 = arith.subf %get3A_392, %get3A_395 : vector<16xf32>
      %add3A_397 = arith.addf %sub3A_396, %get3A_25 : vector<16xf32>
      %mul3A_398 = arith.mulf %add3A_397, %add3A_397 : vector<16xf32>
      %add3A_399 = arith.addf %add3A_389, %mul3A_398 : vector<16xf32>
      %get3A_400 = arith.index_cast %add3A_370 : i32 to index
      %get3A_401 = arith.constant 48 : index
      %get3A_402 = tpu.vector_load %arg12[%get3A_400, %get3A_401] {strides = array<i32>} : memref<512x64xf32, #tpu.memory_space<vmem>>, vector<16xf32>,
      %get3A_403 = arith.index_cast %add3A_370 : i32 to index
      %get3A_404 = arith.constant 48 : index
      %get3A_405 = tpu.vector_load %arg13[%get3A_403, %get3A_404] {strides = array<i32>} : memref<512x64xf32, #tpu.memory_space<vmem>>, vector<16xf32>,
      %sub3A_406 = arith.subf %get3A_402, %get3A_405 : vector<16xf32>
      %add3A_407 = arith.addf %sub3A_406, %get3A_27 : vector<16xf32>
      %mul3A_408 = arith.mulf %add3A_407, %add3A_407 : vector<16xf32>
      %add3A_409 = arith.addf %add3A_399, %mul3A_408 : vector<16xf32>
      %mul3A_410 = arith.constant 16 : i32
      %mul3A_411 = arith.muli %scan3A_66, %mul3A_410 : i32
      %add3A_412 = arith.constant 8 : i32
      %add3A_413 = arith.addi %mul3A_411, %add3A_412 : i32
      %get3A_414 = arith.index_cast %add3A_413 : i32 to index
      %get3A_415 = arith.constant 0 : index
      %get3A_416 = tpu.vector_load %arg12[%get3A_414, %get3A_415] {strides = array<i32>} : memref<512x64xf32, #tpu.memory_space<vmem>>, vector<16xf32>,
      %get3A_417 = arith.index_cast %add3A_413 : i32 to index
      %get3A_418 = arith.constant 0 : index
      %get3A_419 = tpu.vector_load %arg13[%get3A_417, %get3A_418] {strides = array<i32>} : memref<512x64xf32, #tpu.memory_space<vmem>>, vector<16xf32>,
      %sub3A_420 = arith.subf %get3A_416, %get3A_419 : vector<16xf32>
      %add3A_421 = arith.addf %sub3A_420, %get3A_21 : vector<16xf32>
      %mul3A_422 = arith.mulf %add3A_421, %add3A_421 : vector<16xf32>
      %get3A_423 = arith.index_cast %add3A_413 : i32 to index
      %get3A_424 = arith.constant 16 : index
      %get3A_425 = tpu.vector_load %arg12[%get3A_423, %get3A_424] {strides = array<i32>} : memref<512x64xf32, #tpu.memory_space<vmem>>, vector<16xf32>,
      %get3A_426 = arith.index_cast %add3A_413 : i32 to index
      %get3A_427 = arith.constant 16 : index
      %get3A_428 = tpu.vector_load %arg13[%get3A_426, %get3A_427] {strides = array<i32>} : memref<512x64xf32, #tpu.memory_space<vmem>>, vector<16xf32>,
      %sub3A_429 = arith.subf %get3A_425, %get3A_428 : vector<16xf32>
      %add3A_430 = arith.addf %sub3A_429, %get3A_23 : vector<16xf32>
      %mul3A_431 = arith.mulf %add3A_430, %add3A_430 : vector<16xf32>
      %add3A_432 = arith.addf %mul3A_422, %mul3A_431 : vector<16xf32>
      %get3A_433 = arith.index_cast %add3A_413 : i32 to index
      %get3A_434 = arith.constant 32 : index
      %get3A_435 = tpu.vector_load %arg12[%get3A_433, %get3A_434] {strides = array<i32>} : memref<512x64xf32, #tpu.memory_space<vmem>>, vector<16xf32>,
      %get3A_436 = arith.index_cast %add3A_413 : i32 to index
      %get3A_437 = arith.constant 32 : index
      %get3A_438 = tpu.vector_load %arg13[%get3A_436, %get3A_437] {strides = array<i32>} : memref<512x64xf32, #tpu.memory_space<vmem>>, vector<16xf32>,
      %sub3A_439 = arith.subf %get3A_435, %get3A_438 : vector<16xf32>
      %add3A_440 = arith.addf %sub3A_439, %get3A_25 : vector<16xf32>
      %mul3A_441 = arith.mulf %add3A_440, %add3A_440 : vector<16xf32>
      %add3A_442 = arith.addf %add3A_432, %mul3A_441 : vector<16xf32>
      %get3A_443 = arith.index_cast %add3A_413 : i32 to index
      %get3A_444 = arith.constant 48 : index
      %get3A_445 = tpu.vector_load %arg12[%get3A_443, %get3A_444] {strides = array<i32>} : memref<512x64xf32, #tpu.memory_space<vmem>>, vector<16xf32>,
      %get3A_446 = arith.index_cast %add3A_413 : i32 to index
      %get3A_447 = arith.constant 48 : index
      %get3A_448 = tpu.vector_load %arg13[%get3A_446, %get3A_447] {strides = array<i32>} : memref<512x64xf32, #tpu.memory_space<vmem>>, vector<16xf32>,
      %sub3A_449 = arith.subf %get3A_445, %get3A_448 : vector<16xf32>
      %add3A_450 = arith.addf %sub3A_449, %get3A_27 : vector<16xf32>
      %mul3A_451 = arith.mulf %add3A_450, %add3A_450 : vector<16xf32>
      %add3A_452 = arith.addf %add3A_442, %mul3A_451 : vector<16xf32>
      %mul3A_453 = arith.constant 16 : i32
      %mul3A_454 = arith.muli %scan3A_66, %mul3A_453 : i32
      %add3A_455 = arith.constant 9 : i32
      %add3A_456 = arith.addi %mul3A_454, %add3A_455 : i32
      %get3A_457 = arith.index_cast %add3A_456 : i32 to index
      %get3A_458 = arith.constant 0 : index
      %get3A_459 = tpu.vector_load %arg12[%get3A_457, %get3A_458] {strides = array<i32>} : memref<512x64xf32, #tpu.memory_space<vmem>>, vector<16xf32>,
      %get3A_460 = arith.index_cast %add3A_456 : i32 to index
      %get3A_461 = arith.constant 0 : index
      %get3A_462 = tpu.vector_load %arg13[%get3A_460, %get3A_461] {strides = array<i32>} : memref<512x64xf32, #tpu.memory_space<vmem>>, vector<16xf32>,
      %sub3A_463 = arith.subf %get3A_459, %get3A_462 : vector<16xf32>
      %add3A_464 = arith.addf %sub3A_463, %get3A_21 : vector<16xf32>
      %mul3A_465 = arith.mulf %add3A_464, %add3A_464 : vector<16xf32>
      %get3A_466 = arith.index_cast %add3A_456 : i32 to index
      %get3A_467 = arith.constant 16 : index
      %get3A_468 = tpu.vector_load %arg12[%get3A_466, %get3A_467] {strides = array<i32>} : memref<512x64xf32, #tpu.memory_space<vmem>>, vector<16xf32>,
      %get3A_469 = arith.index_cast %add3A_456 : i32 to index
      %get3A_470 = arith.constant 16 : index
      %get3A_471 = tpu.vector_load %arg13[%get3A_469, %get3A_470] {strides = array<i32>} : memref<512x64xf32, #tpu.memory_space<vmem>>, vector<16xf32>,
      %sub3A_472 = arith.subf %get3A_468, %get3A_471 : vector<16xf32>
      %add3A_473 = arith.addf %sub3A_472, %get3A_23 : vector<16xf32>
      %mul3A_474 = arith.mulf %add3A_473, %add3A_473 : vector<16xf32>
      %add3A_475 = arith.addf %mul3A_465, %mul3A_474 : vector<16xf32>
      %get3A_476 = arith.index_cast %add3A_456 : i32 to index
      %get3A_477 = arith.constant 32 : index
      %get3A_478 = tpu.vector_load %arg12[%get3A_476, %get3A_477] {strides = array<i32>} : memref<512x64xf32, #tpu.memory_space<vmem>>, vector<16xf32>,
      %get3A_479 = arith.index_cast %add3A_456 : i32 to index
      %get3A_480 = arith.constant 32 : index
      %get3A_481 = tpu.vector_load %arg13[%get3A_479, %get3A_480] {strides = array<i32>} : memref<512x64xf32, #tpu.memory_space<vmem>>, vector<16xf32>,
      %sub3A_482 = arith.subf %get3A_478, %get3A_481 : vector<16xf32>
      %add3A_483 = arith.addf %sub3A_482, %get3A_25 : vector<16xf32>
      %mul3A_484 = arith.mulf %add3A_483, %add3A_483 : vector<16xf32>
      %add3A_485 = arith.addf %add3A_475, %mul3A_484 : vector<16xf32>
      %get3A_486 = arith.index_cast %add3A_456 : i32 to index
      %get3A_487 = arith.constant 48 : index
      %get3A_488 = tpu.vector_load %arg12[%get3A_486, %get3A_487] {strides = array<i32>} : memref<512x64xf32, #tpu.memory_space<vmem>>, vector<16xf32>,
      %get3A_489 = arith.index_cast %add3A_456 : i32 to index
      %get3A_490 = arith.constant 48 : index
      %get3A_491 = tpu.vector_load %arg13[%get3A_489, %get3A_490] {strides = array<i32>} : memref<512x64xf32, #tpu.memory_space<vmem>>, vector<16xf32>,
      %sub3A_492 = arith.subf %get3A_488, %get3A_491 : vector<16xf32>
      %add3A_493 = arith.addf %sub3A_492, %get3A_27 : vector<16xf32>
      %mul3A_494 = arith.mulf %add3A_493, %add3A_493 : vector<16xf32>
      %add3A_495 = arith.addf %add3A_485, %mul3A_494 : vector<16xf32>
      %mul3A_496 = arith.constant 16 : i32
      %mul3A_497 = arith.muli %scan3A_66, %mul3A_496 : i32
      %add3A_498 = arith.constant 10 : i32
      %add3A_499 = arith.addi %mul3A_497, %add3A_498 : i32
      %get3A_500 = arith.index_cast %add3A_499 : i32 to index
      %get3A_501 = arith.constant 0 : index
      %get3A_502 = tpu.vector_load %arg12[%get3A_500, %get3A_501] {strides = array<i32>} : memref<512x64xf32, #tpu.memory_space<vmem>>, vector<16xf32>,
      %get3A_503 = arith.index_cast %add3A_499 : i32 to index
      %get3A_504 = arith.constant 0 : index
      %get3A_505 = tpu.vector_load %arg13[%get3A_503, %get3A_504] {strides = array<i32>} : memref<512x64xf32, #tpu.memory_space<vmem>>, vector<16xf32>,
      %sub3A_506 = arith.subf %get3A_502, %get3A_505 : vector<16xf32>
      %add3A_507 = arith.addf %sub3A_506, %get3A_21 : vector<16xf32>
      %mul3A_508 = arith.mulf %add3A_507, %add3A_507 : vector<16xf32>
      %get3A_509 = arith.index_cast %add3A_499 : i32 to index
      %get3A_510 = arith.constant 16 : index
      %get3A_511 = tpu.vector_load %arg12[%get3A_509, %get3A_510] {strides = array<i32>} : memref<512x64xf32, #tpu.memory_space<vmem>>, vector<16xf32>,
      %get3A_512 = arith.index_cast %add3A_499 : i32 to index
      %get3A_513 = arith.constant 16 : index
      %get3A_514 = tpu.vector_load %arg13[%get3A_512, %get3A_513] {strides = array<i32>} : memref<512x64xf32, #tpu.memory_space<vmem>>, vector<16xf32>,
      %sub3A_515 = arith.subf %get3A_511, %get3A_514 : vector<16xf32>
      %add3A_516 = arith.addf %sub3A_515, %get3A_23 : vector<16xf32>
      %mul3A_517 = arith.mulf %add3A_516, %add3A_516 : vector<16xf32>
      %add3A_518 = arith.addf %mul3A_508, %mul3A_517 : vector<16xf32>
      %get3A_519 = arith.index_cast %add3A_499 : i32 to index
      %get3A_520 = arith.constant 32 : index
      %get3A_521 = tpu.vector_load %arg12[%get3A_519, %get3A_520] {strides = array<i32>} : memref<512x64xf32, #tpu.memory_space<vmem>>, vector<16xf32>,
      %get3A_522 = arith.index_cast %add3A_499 : i32 to index
      %get3A_523 = arith.constant 32 : index
      %get3A_524 = tpu.vector_load %arg13[%get3A_522, %get3A_523] {strides = array<i32>} : memref<512x64xf32, #tpu.memory_space<vmem>>, vector<16xf32>,
      %sub3A_525 = arith.subf %get3A_521, %get3A_524 : vector<16xf32>
      %add3A_526 = arith.addf %sub3A_525, %get3A_25 : vector<16xf32>
      %mul3A_527 = arith.mulf %add3A_526, %add3A_526 : vector<16xf32>
      %add3A_528 = arith.addf %add3A_518, %mul3A_527 : vector<16xf32>
      %get3A_529 = arith.index_cast %add3A_499 : i32 to index
      %get3A_530 = arith.constant 48 : index
      %get3A_531 = tpu.vector_load %arg12[%get3A_529, %get3A_530] {strides = array<i32>} : memref<512x64xf32, #tpu.memory_space<vmem>>, vector<16xf32>,
      %get3A_532 = arith.index_cast %add3A_499 : i32 to index
      %get3A_533 = arith.constant 48 : index
      %get3A_534 = tpu.vector_load %arg13[%get3A_532, %get3A_533] {strides = array<i32>} : memref<512x64xf32, #tpu.memory_space<vmem>>, vector<16xf32>,
      %sub3A_535 = arith.subf %get3A_531, %get3A_534 : vector<16xf32>
      %add3A_536 = arith.addf %sub3A_535, %get3A_27 : vector<16xf32>
      %mul3A_537 = arith.mulf %add3A_536, %add3A_536 : vector<16xf32>
      %add3A_538 = arith.addf %add3A_528, %mul3A_537 : vector<16xf32>
      %mul3A_539 = arith.constant 16 : i32
      %mul3A_540 = arith.muli %scan3A_66, %mul3A_539 : i32
      %add3A_541 = arith.constant 11 : i32
      %add3A_542 = arith.addi %mul3A_540, %add3A_541 : i32
      %get3A_543 = arith.index_cast %add3A_542 : i32 to index
      %get3A_544 = arith.constant 0 : index
      %get3A_545 = tpu.vector_load %arg12[%get3A_543, %get3A_544] {strides = array<i32>} : memref<512x64xf32, #tpu.memory_space<vmem>>, vector<16xf32>,
      %get3A_546 = arith.index_cast %add3A_542 : i32 to index
      %get3A_547 = arith.constant 0 : index
      %get3A_548 = tpu.vector_load %arg13[%get3A_546, %get3A_547] {strides = array<i32>} : memref<512x64xf32, #tpu.memory_space<vmem>>, vector<16xf32>,
      %sub3A_549 = arith.subf %get3A_545, %get3A_548 : vector<16xf32>
      %add3A_550 = arith.addf %sub3A_549, %get3A_21 : vector<16xf32>
      %mul3A_551 = arith.mulf %add3A_550, %add3A_550 : vector<16xf32>
      %get3A_552 = arith.index_cast %add3A_542 : i32 to index
      %get3A_553 = arith.constant 16 : index
      %get3A_554 = tpu.vector_load %arg12[%get3A_552, %get3A_553] {strides = array<i32>} : memref<512x64xf32, #tpu.memory_space<vmem>>, vector<16xf32>,
      %get3A_555 = arith.index_cast %add3A_542 : i32 to index
      %get3A_556 = arith.constant 16 : index
      %get3A_557 = tpu.vector_load %arg13[%get3A_555, %get3A_556] {strides = array<i32>} : memref<512x64xf32, #tpu.memory_space<vmem>>, vector<16xf32>,
      %sub3A_558 = arith.subf %get3A_554, %get3A_557 : vector<16xf32>
      %add3A_559 = arith.addf %sub3A_558, %get3A_23 : vector<16xf32>
      %mul3A_560 = arith.mulf %add3A_559, %add3A_559 : vector<16xf32>
      %add3A_561 = arith.addf %mul3A_551, %mul3A_560 : vector<16xf32>
      %get3A_562 = arith.index_cast %add3A_542 : i32 to index
      %get3A_563 = arith.constant 32 : index
      %get3A_564 = tpu.vector_load %arg12[%get3A_562, %get3A_563] {strides = array<i32>} : memref<512x64xf32, #tpu.memory_space<vmem>>, vector<16xf32>,
      %get3A_565 = arith.index_cast %add3A_542 : i32 to index
      %get3A_566 = arith.constant 32 : index
      %get3A_567 = tpu.vector_load %arg13[%get3A_565, %get3A_566] {strides = array<i32>} : memref<512x64xf32, #tpu.memory_space<vmem>>, vector<16xf32>,
      %sub3A_568 = arith.subf %get3A_564, %get3A_567 : vector<16xf32>
      %add3A_569 = arith.addf %sub3A_568, %get3A_25 : vector<16xf32>
      %mul3A_570 = arith.mulf %add3A_569, %add3A_569 : vector<16xf32>
      %add3A_571 = arith.addf %add3A_561, %mul3A_570 : vector<16xf32>
      %get3A_572 = arith.index_cast %add3A_542 : i32 to index
      %get3A_573 = arith.constant 48 : index
      %get3A_574 = tpu.vector_load %arg12[%get3A_572, %get3A_573] {strides = array<i32>} : memref<512x64xf32, #tpu.memory_space<vmem>>, vector<16xf32>,
      %get3A_575 = arith.index_cast %add3A_542 : i32 to index
      %get3A_576 = arith.constant 48 : index
      %get3A_577 = tpu.vector_load %arg13[%get3A_575, %get3A_576] {strides = array<i32>} : memref<512x64xf32, #tpu.memory_space<vmem>>, vector<16xf32>,
      %sub3A_578 = arith.subf %get3A_574, %get3A_577 : vector<16xf32>
      %add3A_579 = arith.addf %sub3A_578, %get3A_27 : vector<16xf32>
      %mul3A_580 = arith.mulf %add3A_579, %add3A_579 : vector<16xf32>
      %add3A_581 = arith.addf %add3A_571, %mul3A_580 : vector<16xf32>
      %mul3A_582 = arith.constant 16 : i32
      %mul3A_583 = arith.muli %scan3A_66, %mul3A_582 : i32
      %add3A_584 = arith.constant 12 : i32
      %add3A_585 = arith.addi %mul3A_583, %add3A_584 : i32
      %get3A_586 = arith.index_cast %add3A_585 : i32 to index
      %get3A_587 = arith.constant 0 : index
      %get3A_588 = tpu.vector_load %arg12[%get3A_586, %get3A_587] {strides = array<i32>} : memref<512x64xf32, #tpu.memory_space<vmem>>, vector<16xf32>,
      %get3A_589 = arith.index_cast %add3A_585 : i32 to index
      %get3A_590 = arith.constant 0 : index
      %get3A_591 = tpu.vector_load %arg13[%get3A_589, %get3A_590] {strides = array<i32>} : memref<512x64xf32, #tpu.memory_space<vmem>>, vector<16xf32>,
      %sub3A_592 = arith.subf %get3A_588, %get3A_591 : vector<16xf32>
      %add3A_593 = arith.addf %sub3A_592, %get3A_21 : vector<16xf32>
      %mul3A_594 = arith.mulf %add3A_593, %add3A_593 : vector<16xf32>
      %get3A_595 = arith.index_cast %add3A_585 : i32 to index
      %get3A_596 = arith.constant 16 : index
      %get3A_597 = tpu.vector_load %arg12[%get3A_595, %get3A_596] {strides = array<i32>} : memref<512x64xf32, #tpu.memory_space<vmem>>, vector<16xf32>,
      %get3A_598 = arith.index_cast %add3A_585 : i32 to index
      %get3A_599 = arith.constant 16 : index
      %get3A_600 = tpu.vector_load %arg13[%get3A_598, %get3A_599] {strides = array<i32>} : memref<512x64xf32, #tpu.memory_space<vmem>>, vector<16xf32>,
      %sub3A_601 = arith.subf %get3A_597, %get3A_600 : vector<16xf32>
      %add3A_602 = arith.addf %sub3A_601, %get3A_23 : vector<16xf32>
      %mul3A_603 = arith.mulf %add3A_602, %add3A_602 : vector<16xf32>
      %add3A_604 = arith.addf %mul3A_594, %mul3A_603 : vector<16xf32>
      %get3A_605 = arith.index_cast %add3A_585 : i32 to index
      %get3A_606 = arith.constant 32 : index
      %get3A_607 = tpu.vector_load %arg12[%get3A_605, %get3A_606] {strides = array<i32>} : memref<512x64xf32, #tpu.memory_space<vmem>>, vector<16xf32>,
      %get3A_608 = arith.index_cast %add3A_585 : i32 to index
      %get3A_609 = arith.constant 32 : index
      %get3A_610 = tpu.vector_load %arg13[%get3A_608, %get3A_609] {strides = array<i32>} : memref<512x64xf32, #tpu.memory_space<vmem>>, vector<16xf32>,
      %sub3A_611 = arith.subf %get3A_607, %get3A_610 : vector<16xf32>
      %add3A_612 = arith.addf %sub3A_611, %get3A_25 : vector<16xf32>
      %mul3A_613 = arith.mulf %add3A_612, %add3A_612 : vector<16xf32>
      %add3A_614 = arith.addf %add3A_604, %mul3A_613 : vector<16xf32>
      %get3A_615 = arith.index_cast %add3A_585 : i32 to index
      %get3A_616 = arith.constant 48 : index
      %get3A_617 = tpu.vector_load %arg12[%get3A_615, %get3A_616] {strides = array<i32>} : memref<512x64xf32, #tpu.memory_space<vmem>>, vector<16xf32>,
      %get3A_618 = arith.index_cast %add3A_585 : i32 to index
      %get3A_619 = arith.constant 48 : index
      %get3A_620 = tpu.vector_load %arg13[%get3A_618, %get3A_619] {strides = array<i32>} : memref<512x64xf32, #tpu.memory_space<vmem>>, vector<16xf32>,
      %sub3A_621 = arith.subf %get3A_617, %get3A_620 : vector<16xf32>
      %add3A_622 = arith.addf %sub3A_621, %get3A_27 : vector<16xf32>
      %mul3A_623 = arith.mulf %add3A_622, %add3A_622 : vector<16xf32>
      %add3A_624 = arith.addf %add3A_614, %mul3A_623 : vector<16xf32>
      %mul3A_625 = arith.constant 16 : i32
      %mul3A_626 = arith.muli %scan3A_66, %mul3A_625 : i32
      %add3A_627 = arith.constant 13 : i32
      %add3A_628 = arith.addi %mul3A_626, %add3A_627 : i32
      %get3A_629 = arith.index_cast %add3A_628 : i32 to index
      %get3A_630 = arith.constant 0 : index
      %get3A_631 = tpu.vector_load %arg12[%get3A_629, %get3A_630] {strides = array<i32>} : memref<512x64xf32, #tpu.memory_space<vmem>>, vector<16xf32>,
      %get3A_632 = arith.index_cast %add3A_628 : i32 to index
      %get3A_633 = arith.constant 0 : index
      %get3A_634 = tpu.vector_load %arg13[%get3A_632, %get3A_633] {strides = array<i32>} : memref<512x64xf32, #tpu.memory_space<vmem>>, vector<16xf32>,
      %sub3A_635 = arith.subf %get3A_631, %get3A_634 : vector<16xf32>
      %add3A_636 = arith.addf %sub3A_635, %get3A_21 : vector<16xf32>
      %mul3A_637 = arith.mulf %add3A_636, %add3A_636 : vector<16xf32>
      %get3A_638 = arith.index_cast %add3A_628 : i32 to index
      %get3A_639 = arith.constant 16 : index
      %get3A_640 = tpu.vector_load %arg12[%get3A_638, %get3A_639] {strides = array<i32>} : memref<512x64xf32, #tpu.memory_space<vmem>>, vector<16xf32>,
      %get3A_641 = arith.index_cast %add3A_628 : i32 to index
      %get3A_642 = arith.constant 16 : index
      %get3A_643 = tpu.vector_load %arg13[%get3A_641, %get3A_642] {strides = array<i32>} : memref<512x64xf32, #tpu.memory_space<vmem>>, vector<16xf32>,
      %sub3A_644 = arith.subf %get3A_640, %get3A_643 : vector<16xf32>
      %add3A_645 = arith.addf %sub3A_644, %get3A_23 : vector<16xf32>
      %mul3A_646 = arith.mulf %add3A_645, %add3A_645 : vector<16xf32>
      %add3A_647 = arith.addf %mul3A_637, %mul3A_646 : vector<16xf32>
      %get3A_648 = arith.index_cast %add3A_628 : i32 to index
      %get3A_649 = arith.constant 32 : index
      %get3A_650 = tpu.vector_load %arg12[%get3A_648, %get3A_649] {strides = array<i32>} : memref<512x64xf32, #tpu.memory_space<vmem>>, vector<16xf32>,
      %get3A_651 = arith.index_cast %add3A_628 : i32 to index
      %get3A_652 = arith.constant 32 : index
      %get3A_653 = tpu.vector_load %arg13[%get3A_651, %get3A_652] {strides = array<i32>} : memref<512x64xf32, #tpu.memory_space<vmem>>, vector<16xf32>,
      %sub3A_654 = arith.subf %get3A_650, %get3A_653 : vector<16xf32>
      %add3A_655 = arith.addf %sub3A_654, %get3A_25 : vector<16xf32>
      %mul3A_656 = arith.mulf %add3A_655, %add3A_655 : vector<16xf32>
      %add3A_657 = arith.addf %add3A_647, %mul3A_656 : vector<16xf32>
      %get3A_658 = arith.index_cast %add3A_628 : i32 to index
      %get3A_659 = arith.constant 48 : index
      %get3A_660 = tpu.vector_load %arg12[%get3A_658, %get3A_659] {strides = array<i32>} : memref<512x64xf32, #tpu.memory_space<vmem>>, vector<16xf32>,
      %get3A_661 = arith.index_cast %add3A_628 : i32 to index
      %get3A_662 = arith.constant 48 : index
      %get3A_663 = tpu.vector_load %arg13[%get3A_661, %get3A_662] {strides = array<i32>} : memref<512x64xf32, #tpu.memory_space<vmem>>, vector<16xf32>,
      %sub3A_664 = arith.subf %get3A_660, %get3A_663 : vector<16xf32>
      %add3A_665 = arith.addf %sub3A_664, %get3A_27 : vector<16xf32>
      %mul3A_666 = arith.mulf %add3A_665, %add3A_665 : vector<16xf32>
      %add3A_667 = arith.addf %add3A_657, %mul3A_666 : vector<16xf32>
      %mul3A_668 = arith.constant 16 : i32
      %mul3A_669 = arith.muli %scan3A_66, %mul3A_668 : i32
      %add3A_670 = arith.constant 14 : i32
      %add3A_671 = arith.addi %mul3A_669, %add3A_670 : i32
      %get3A_672 = arith.index_cast %add3A_671 : i32 to index
      %get3A_673 = arith.constant 0 : index
      %get3A_674 = tpu.vector_load %arg12[%get3A_672, %get3A_673] {strides = array<i32>} : memref<512x64xf32, #tpu.memory_space<vmem>>, vector<16xf32>,
      %get3A_675 = arith.index_cast %add3A_671 : i32 to index
      %get3A_676 = arith.constant 0 : index
      %get3A_677 = tpu.vector_load %arg13[%get3A_675, %get3A_676] {strides = array<i32>} : memref<512x64xf32, #tpu.memory_space<vmem>>, vector<16xf32>,
      %sub3A_678 = arith.subf %get3A_674, %get3A_677 : vector<16xf32>
      %add3A_679 = arith.addf %sub3A_678, %get3A_21 : vector<16xf32>
      %mul3A_680 = arith.mulf %add3A_679, %add3A_679 : vector<16xf32>
      %get3A_681 = arith.index_cast %add3A_671 : i32 to index
      %get3A_682 = arith.constant 16 : index
      %get3A_683 = tpu.vector_load %arg12[%get3A_681, %get3A_682] {strides = array<i32>} : memref<512x64xf32, #tpu.memory_space<vmem>>, vector<16xf32>,
      %get3A_684 = arith.index_cast %add3A_671 : i32 to index
      %get3A_685 = arith.constant 16 : index
      %get3A_686 = tpu.vector_load %arg13[%get3A_684, %get3A_685] {strides = array<i32>} : memref<512x64xf32, #tpu.memory_space<vmem>>, vector<16xf32>,
      %sub3A_687 = arith.subf %get3A_683, %get3A_686 : vector<16xf32>
      %add3A_688 = arith.addf %sub3A_687, %get3A_23 : vector<16xf32>
      %mul3A_689 = arith.mulf %add3A_688, %add3A_688 : vector<16xf32>
      %add3A_690 = arith.addf %mul3A_680, %mul3A_689 : vector<16xf32>
      %get3A_691 = arith.index_cast %add3A_671 : i32 to index
      %get3A_692 = arith.constant 32 : index
      %get3A_693 = tpu.vector_load %arg12[%get3A_691, %get3A_692] {strides = array<i32>} : memref<512x64xf32, #tpu.memory_space<vmem>>, vector<16xf32>,
      %get3A_694 = arith.index_cast %add3A_671 : i32 to index
      %get3A_695 = arith.constant 32 : index
      %get3A_696 = tpu.vector_load %arg13[%get3A_694, %get3A_695] {strides = array<i32>} : memref<512x64xf32, #tpu.memory_space<vmem>>, vector<16xf32>,
      %sub3A_697 = arith.subf %get3A_693, %get3A_696 : vector<16xf32>
      %add3A_698 = arith.addf %sub3A_697, %get3A_25 : vector<16xf32>
      %mul3A_699 = arith.mulf %add3A_698, %add3A_698 : vector<16xf32>
      %add3A_700 = arith.addf %add3A_690, %mul3A_699 : vector<16xf32>
      %get3A_701 = arith.index_cast %add3A_671 : i32 to index
      %get3A_702 = arith.constant 48 : index
      %get3A_703 = tpu.vector_load %arg12[%get3A_701, %get3A_702] {strides = array<i32>} : memref<512x64xf32, #tpu.memory_space<vmem>>, vector<16xf32>,
      %get3A_704 = arith.index_cast %add3A_671 : i32 to index
      %get3A_705 = arith.constant 48 : index
      %get3A_706 = tpu.vector_load %arg13[%get3A_704, %get3A_705] {strides = array<i32>} : memref<512x64xf32, #tpu.memory_space<vmem>>, vector<16xf32>,
      %sub3A_707 = arith.subf %get3A_703, %get3A_706 : vector<16xf32>
      %add3A_708 = arith.addf %sub3A_707, %get3A_27 : vector<16xf32>
      %mul3A_709 = arith.mulf %add3A_708, %add3A_708 : vector<16xf32>
      %add3A_710 = arith.addf %add3A_700, %mul3A_709 : vector<16xf32>
      %mul3A_711 = arith.constant 16 : i32
      %mul3A_712 = arith.muli %scan3A_66, %mul3A_711 : i32
      %add3A_713 = arith.constant 15 : i32
      %add3A_714 = arith.addi %mul3A_712, %add3A_713 : i32
      %get3A_715 = arith.index_cast %add3A_714 : i32 to index
      %get3A_716 = arith.constant 0 : index
      %get3A_717 = tpu.vector_load %arg12[%get3A_715, %get3A_716] {strides = array<i32>} : memref<512x64xf32, #tpu.memory_space<vmem>>, vector<16xf32>,
      %get3A_718 = arith.index_cast %add3A_714 : i32 to index
      %get3A_719 = arith.constant 0 : index
      %get3A_720 = tpu.vector_load %arg13[%get3A_718, %get3A_719] {strides = array<i32>} : memref<512x64xf32, #tpu.memory_space<vmem>>, vector<16xf32>,
      %sub3A_721 = arith.subf %get3A_717, %get3A_720 : vector<16xf32>
      %add3A_722 = arith.addf %sub3A_721, %get3A_21 : vector<16xf32>
      %mul3A_723 = arith.mulf %add3A_722, %add3A_722 : vector<16xf32>
      %get3A_724 = arith.index_cast %add3A_714 : i32 to index
      %get3A_725 = arith.constant 16 : index
      %get3A_726 = tpu.vector_load %arg12[%get3A_724, %get3A_725] {strides = array<i32>} : memref<512x64xf32, #tpu.memory_space<vmem>>, vector<16xf32>,
      %get3A_727 = arith.index_cast %add3A_714 : i32 to index
      %get3A_728 = arith.constant 16 : index
      %get3A_729 = tpu.vector_load %arg13[%get3A_727, %get3A_728] {strides = array<i32>} : memref<512x64xf32, #tpu.memory_space<vmem>>, vector<16xf32>,
      %sub3A_730 = arith.subf %get3A_726, %get3A_729 : vector<16xf32>
      %add3A_731 = arith.addf %sub3A_730, %get3A_23 : vector<16xf32>
      %mul3A_732 = arith.mulf %add3A_731, %add3A_731 : vector<16xf32>
      %add3A_733 = arith.addf %mul3A_723, %mul3A_732 : vector<16xf32>
      %get3A_734 = arith.index_cast %add3A_714 : i32 to index
      %get3A_735 = arith.constant 32 : index
      %get3A_736 = tpu.vector_load %arg12[%get3A_734, %get3A_735] {strides = array<i32>} : memref<512x64xf32, #tpu.memory_space<vmem>>, vector<16xf32>,
      %get3A_737 = arith.index_cast %add3A_714 : i32 to index
      %get3A_738 = arith.constant 32 : index
      %get3A_739 = tpu.vector_load %arg13[%get3A_737, %get3A_738] {strides = array<i32>} : memref<512x64xf32, #tpu.memory_space<vmem>>, vector<16xf32>,
      %sub3A_740 = arith.subf %get3A_736, %get3A_739 : vector<16xf32>
      %add3A_741 = arith.addf %sub3A_740, %get3A_25 : vector<16xf32>
      %mul3A_742 = arith.mulf %add3A_741, %add3A_741 : vector<16xf32>
      %add3A_743 = arith.addf %add3A_733, %mul3A_742 : vector<16xf32>
      %get3A_744 = arith.index_cast %add3A_714 : i32 to index
      %get3A_745 = arith.constant 48 : index
      %get3A_746 = tpu.vector_load %arg12[%get3A_744, %get3A_745] {strides = array<i32>} : memref<512x64xf32, #tpu.memory_space<vmem>>, vector<16xf32>,
      %get3A_747 = arith.index_cast %add3A_714 : i32 to index
      %get3A_748 = arith.constant 48 : index
      %get3A_749 = tpu.vector_load %arg13[%get3A_747, %get3A_748] {strides = array<i32>} : memref<512x64xf32, #tpu.memory_space<vmem>>, vector<16xf32>,
      %sub3A_750 = arith.subf %get3A_746, %get3A_749 : vector<16xf32>
      %add3A_751 = arith.addf %sub3A_750, %get3A_27 : vector<16xf32>
      %mul3A_752 = arith.mulf %add3A_751, %add3A_751 : vector<16xf32>
      %add3A_753 = arith.addf %add3A_743, %mul3A_752 : vector<16xf32>
      %select_n3A = arith.select %eq3A_42, %add3A_151, %add3A_108 : vector<16xi1>, vector<16xf32>
      %masked_sort3A = arith.constant dense<true> : vector<16xi1>
      %masked_sort3A_754 = arith.constant -2147483648 : i32
      %masked_sort3A_755 = vector.broadcast %masked_sort3A_754 : i32 to vector<16xi32>
      %masked_sort3A_756 = arith.xori %xor3A_29, %masked_sort3A_755 : vector<16xi32>
      %masked_sort3A_757, %masked_sort3A_758, %masked_sort3A_759 = tpu.sort %masked_sort3A_756, %select_n3A masked %masked_sort3A : (vector<16xi32>, vector<16xf32>, vector<16xi1>) -> (vector<16xi1>, vector<16xi32>, vector<16xf32>)
      %masked_sort3A_760 = arith.xori %masked_sort3A_758, %masked_sort3A_755 : vector<16xi32>
      %select_n3A_761 = arith.select %eq3A_42, %add3A_108, %add3A_151 : vector<16xi1>, vector<16xf32>
      %add3A_762 = arith.addf %select_n3A_761, %masked_sort3A_759 : vector<16xf32>
      %select_n3A_763 = arith.select %eq3A_42, %add3A_237, %add3A_194 : vector<16xi1>, vector<16xf32>
      %masked_sort3A_764 = arith.constant dense<true> : vector<16xi1>
      %masked_sort3A_765 = arith.constant -2147483648 : i32
      %masked_sort3A_766 = vector.broadcast %masked_sort3A_765 : i32 to vector<16xi32>
      %masked_sort3A_767 = arith.xori %xor3A_29, %masked_sort3A_766 : vector<16xi32>
      %masked_sort3A_768, %masked_sort3A_769, %masked_sort3A_770 = tpu.sort %masked_sort3A_767, %select_n3A_763 masked %masked_sort3A_764 : (vector<16xi32>, vector<16xf32>, vector<16xi1>) -> (vector<16xi1>, vector<16xi32>, vector<16xf32>)
      %masked_sort3A_771 = arith.xori %masked_sort3A_769, %masked_sort3A_766 : vector<16xi32>
      %select_n3A_772 = arith.select %eq3A_42, %add3A_194, %add3A_237 : vector<16xi1>, vector<16xf32>
      %add3A_773 = arith.addf %select_n3A_772, %masked_sort3A_770 : vector<16xf32>
      %select_n3A_774 = arith.select %eq3A_42, %add3A_323, %add3A_280 : vector<16xi1>, vector<16xf32>
      %masked_sort3A_775 = arith.constant dense<true> : vector<16xi1>
      %masked_sort3A_776 = arith.constant -2147483648 : i32
      %masked_sort3A_777 = vector.broadcast %masked_sort3A_776 : i32 to vector<16xi32>
      %masked_sort3A_778 = arith.xori %xor3A_29, %masked_sort3A_777 : vector<16xi32>
      %masked_sort3A_779, %masked_sort3A_780, %masked_sort3A_781 = tpu.sort %masked_sort3A_778, %select_n3A_774 masked %masked_sort3A_775 : (vector<16xi32>, vector<16xf32>, vector<16xi1>) -> (vector<16xi1>, vector<16xi32>, vector<16xf32>)
      %masked_sort3A_782 = arith.xori %masked_sort3A_780, %masked_sort3A_777 : vector<16xi32>
      %select_n3A_783 = arith.select %eq3A_42, %add3A_280, %add3A_323 : vector<16xi1>, vector<16xf32>
      %add3A_784 = arith.addf %select_n3A_783, %masked_sort3A_781 : vector<16xf32>
      %select_n3A_785 = arith.select %eq3A_42, %add3A_409, %add3A_366 : vector<16xi1>, vector<16xf32>
      %masked_sort3A_786 = arith.constant dense<true> : vector<16xi1>
      %masked_sort3A_787 = arith.constant -2147483648 : i32
      %masked_sort3A_788 = vector.broadcast %masked_sort3A_787 : i32 to vector<16xi32>
      %masked_sort3A_789 = arith.xori %xor3A_29, %masked_sort3A_788 : vector<16xi32>
      %masked_sort3A_790, %masked_sort3A_791, %masked_sort3A_792 = tpu.sort %masked_sort3A_789, %select_n3A_785 masked %masked_sort3A_786 : (vector<16xi32>, vector<16xf32>, vector<16xi1>) -> (vector<16xi1>, vector<16xi32>, vector<16xf32>)
      %masked_sort3A_793 = arith.xori %masked_sort3A_791, %masked_sort3A_788 : vector<16xi32>
      %select_n3A_794 = arith.select %eq3A_42, %add3A_366, %add3A_409 : vector<16xi1>, vector<16xf32>
      %add3A_795 = arith.addf %select_n3A_794, %masked_sort3A_792 : vector<16xf32>
      %select_n3A_796 = arith.select %eq3A_42, %add3A_495, %add3A_452 : vector<16xi1>, vector<16xf32>
      %masked_sort3A_797 = arith.constant dense<true> : vector<16xi1>
      %masked_sort3A_798 = arith.constant -2147483648 : i32
      %masked_sort3A_799 = vector.broadcast %masked_sort3A_798 : i32 to vector<16xi32>
      %masked_sort3A_800 = arith.xori %xor3A_29, %masked_sort3A_799 : vector<16xi32>
      %masked_sort3A_801, %masked_sort3A_802, %masked_sort3A_803 = tpu.sort %masked_sort3A_800, %select_n3A_796 masked %masked_sort3A_797 : (vector<16xi32>, vector<16xf32>, vector<16xi1>) -> (vector<16xi1>, vector<16xi32>, vector<16xf32>)
      %masked_sort3A_804 = arith.xori %masked_sort3A_802, %masked_sort3A_799 : vector<16xi32>
      %select_n3A_805 = arith.select %eq3A_42, %add3A_452, %add3A_495 : vector<16xi1>, vector<16xf32>
      %add3A_806 = arith.addf %select_n3A_805, %masked_sort3A_803 : vector<16xf32>
      %select_n3A_807 = arith.select %eq3A_42, %add3A_581, %add3A_538 : vector<16xi1>, vector<16xf32>
      %masked_sort3A_808 = arith.constant dense<true> : vector<16xi1>
      %masked_sort3A_809 = arith.constant -2147483648 : i32
      %masked_sort3A_810 = vector.broadcast %masked_sort3A_809 : i32 to vector<16xi32>
      %masked_sort3A_811 = arith.xori %xor3A_29, %masked_sort3A_810 : vector<16xi32>
      %masked_sort3A_812, %masked_sort3A_813, %masked_sort3A_814 = tpu.sort %masked_sort3A_811, %select_n3A_807 masked %masked_sort3A_808 : (vector<16xi32>, vector<16xf32>, vector<16xi1>) -> (vector<16xi1>, vector<16xi32>, vector<16xf32>)
      %masked_sort3A_815 = arith.xori %masked_sort3A_813, %masked_sort3A_810 : vector<16xi32>
      %select_n3A_816 = arith.select %eq3A_42, %add3A_538, %add3A_581 : vector<16xi1>, vector<16xf32>
      %add3A_817 = arith.addf %select_n3A_816, %masked_sort3A_814 : vector<16xf32>
      %select_n3A_818 = arith.select %eq3A_42, %add3A_667, %add3A_624 : vector<16xi1>, vector<16xf32>
      %masked_sort3A_819 = arith.constant dense<true> : vector<16xi1>
      %masked_sort3A_820 = arith.constant -2147483648 : i32
      %masked_sort3A_821 = vector.broadcast %masked_sort3A_820 : i32 to vector<16xi32>
      %masked_sort3A_822 = arith.xori %xor3A_29, %masked_sort3A_821 : vector<16xi32>
      %masked_sort3A_823, %masked_sort3A_824, %masked_sort3A_825 = tpu.sort %masked_sort3A_822, %select_n3A_818 masked %masked_sort3A_819 : (vector<16xi32>, vector<16xf32>, vector<16xi1>) -> (vector<16xi1>, vector<16xi32>, vector<16xf32>)
      %masked_sort3A_826 = arith.xori %masked_sort3A_824, %masked_sort3A_821 : vector<16xi32>
      %select_n3A_827 = arith.select %eq3A_42, %add3A_624, %add3A_667 : vector<16xi1>, vector<16xf32>
      %add3A_828 = arith.addf %select_n3A_827, %masked_sort3A_825 : vector<16xf32>
      %select_n3A_829 = arith.select %eq3A_42, %add3A_753, %add3A_710 : vector<16xi1>, vector<16xf32>
      %masked_sort3A_830 = arith.constant dense<true> : vector<16xi1>
      %masked_sort3A_831 = arith.constant -2147483648 : i32
      %masked_sort3A_832 = vector.broadcast %masked_sort3A_831 : i32 to vector<16xi32>
      %masked_sort3A_833 = arith.xori %xor3A_29, %masked_sort3A_832 : vector<16xi32>
      %masked_sort3A_834, %masked_sort3A_835, %masked_sort3A_836 = tpu.sort %masked_sort3A_833, %select_n3A_829 masked %masked_sort3A_830 : (vector<16xi32>, vector<16xf32>, vector<16xi1>) -> (vector<16xi1>, vector<16xi32>, vector<16xf32>)
      %masked_sort3A_837 = arith.xori %masked_sort3A_835, %masked_sort3A_832 : vector<16xi32>
      %select_n3A_838 = arith.select %eq3A_42, %add3A_710, %add3A_753 : vector<16xi1>, vector<16xf32>
      %add3A_839 = arith.addf %select_n3A_838, %masked_sort3A_836 : vector<16xf32>
      %select_n3A_840 = arith.select %eq3A_48, %add3A_773, %add3A_762 : vector<16xi1>, vector<16xf32>
      %masked_sort3A_841 = arith.constant dense<true> : vector<16xi1>
      %masked_sort3A_842 = arith.constant -2147483648 : i32
      %masked_sort3A_843 = vector.broadcast %masked_sort3A_842 : i32 to vector<16xi32>
      %masked_sort3A_844 = arith.xori %xor3A_32, %masked_sort3A_843 : vector<16xi32>
      %masked_sort3A_845, %masked_sort3A_846, %masked_sort3A_847 = tpu.sort %masked_sort3A_844, %select_n3A_840 masked %masked_sort3A_841 : (vector<16xi32>, vector<16xf32>, vector<16xi1>) -> (vector<16xi1>, vector<16xi32>, vector<16xf32>)
      %masked_sort3A_848 = arith.xori %masked_sort3A_846, %masked_sort3A_843 : vector<16xi32>
      %select_n3A_849 = arith.select %eq3A_48, %add3A_762, %add3A_773 : vector<16xi1>, vector<16xf32>
      %add3A_850 = arith.addf %select_n3A_849, %masked_sort3A_847 : vector<16xf32>
      %select_n3A_851 = arith.select %eq3A_48, %add3A_795, %add3A_784 : vector<16xi1>, vector<16xf32>
      %masked_sort3A_852 = arith.constant dense<true> : vector<16xi1>
      %masked_sort3A_853 = arith.constant -2147483648 : i32
      %masked_sort3A_854 = vector.broadcast %masked_sort3A_853 : i32 to vector<16xi32>
      %masked_sort3A_855 = arith.xori %xor3A_32, %masked_sort3A_854 : vector<16xi32>
      %masked_sort3A_856, %masked_sort3A_857, %masked_sort3A_858 = tpu.sort %masked_sort3A_855, %select_n3A_851 masked %masked_sort3A_852 : (vector<16xi32>, vector<16xf32>, vector<16xi1>) -> (vector<16xi1>, vector<16xi32>, vector<16xf32>)
      %masked_sort3A_859 = arith.xori %masked_sort3A_857, %masked_sort3A_854 : vector<16xi32>
      %select_n3A_860 = arith.select %eq3A_48, %add3A_784, %add3A_795 : vector<16xi1>, vector<16xf32>
      %add3A_861 = arith.addf %select_n3A_860, %masked_sort3A_858 : vector<16xf32>
      %select_n3A_862 = arith.select %eq3A_48, %add3A_817, %add3A_806 : vector<16xi1>, vector<16xf32>
      %masked_sort3A_863 = arith.constant dense<true> : vector<16xi1>
      %masked_sort3A_864 = arith.constant -2147483648 : i32
      %masked_sort3A_865 = vector.broadcast %masked_sort3A_864 : i32 to vector<16xi32>
      %masked_sort3A_866 = arith.xori %xor3A_32, %masked_sort3A_865 : vector<16xi32>
      %masked_sort3A_867, %masked_sort3A_868, %masked_sort3A_869 = tpu.sort %masked_sort3A_866, %select_n3A_862 masked %masked_sort3A_863 : (vector<16xi32>, vector<16xf32>, vector<16xi1>) -> (vector<16xi1>, vector<16xi32>, vector<16xf32>)
      %masked_sort3A_870 = arith.xori %masked_sort3A_868, %masked_sort3A_865 : vector<16xi32>
      %select_n3A_871 = arith.select %eq3A_48, %add3A_806, %add3A_817 : vector<16xi1>, vector<16xf32>
      %add3A_872 = arith.addf %select_n3A_871, %masked_sort3A_869 : vector<16xf32>
      %select_n3A_873 = arith.select %eq3A_48, %add3A_839, %add3A_828 : vector<16xi1>, vector<16xf32>
      %masked_sort3A_874 = arith.constant dense<true> : vector<16xi1>
      %masked_sort3A_875 = arith.constant -2147483648 : i32
      %masked_sort3A_876 = vector.broadcast %masked_sort3A_875 : i32 to vector<16xi32>
      %masked_sort3A_877 = arith.xori %xor3A_32, %masked_sort3A_876 : vector<16xi32>
      %masked_sort3A_878, %masked_sort3A_879, %masked_sort3A_880 = tpu.sort %masked_sort3A_877, %select_n3A_873 masked %masked_sort3A_874 : (vector<16xi32>, vector<16xf32>, vector<16xi1>) -> (vector<16xi1>, vector<16xi32>, vector<16xf32>)
      %masked_sort3A_881 = arith.xori %masked_sort3A_879, %masked_sort3A_876 : vector<16xi32>
      %select_n3A_882 = arith.select %eq3A_48, %add3A_828, %add3A_839 : vector<16xi1>, vector<16xf32>
      %add3A_883 = arith.addf %select_n3A_882, %masked_sort3A_880 : vector<16xf32>
      %select_n3A_884 = arith.select %eq3A_54, %add3A_861, %add3A_850 : vector<16xi1>, vector<16xf32>
      %masked_sort3A_885 = arith.constant dense<true> : vector<16xi1>
      %masked_sort3A_886 = arith.constant -2147483648 : i32
      %masked_sort3A_887 = vector.broadcast %masked_sort3A_886 : i32 to vector<16xi32>
      %masked_sort3A_888 = arith.xori %xor3A_35, %masked_sort3A_887 : vector<16xi32>
      %masked_sort3A_889, %masked_sort3A_890, %masked_sort3A_891 = tpu.sort %masked_sort3A_888, %select_n3A_884 masked %masked_sort3A_885 : (vector<16xi32>, vector<16xf32>, vector<16xi1>) -> (vector<16xi1>, vector<16xi32>, vector<16xf32>)
      %masked_sort3A_892 = arith.xori %masked_sort3A_890, %masked_sort3A_887 : vector<16xi32>
      %select_n3A_893 = arith.select %eq3A_54, %add3A_850, %add3A_861 : vector<16xi1>, vector<16xf32>
      %add3A_894 = arith.addf %select_n3A_893, %masked_sort3A_891 : vector<16xf32>
      %select_n3A_895 = arith.select %eq3A_54, %add3A_883, %add3A_872 : vector<16xi1>, vector<16xf32>
      %masked_sort3A_896 = arith.constant dense<true> : vector<16xi1>
      %masked_sort3A_897 = arith.constant -2147483648 : i32
      %masked_sort3A_898 = vector.broadcast %masked_sort3A_897 : i32 to vector<16xi32>
      %masked_sort3A_899 = arith.xori %xor3A_35, %masked_sort3A_898 : vector<16xi32>
      %masked_sort3A_900, %masked_sort3A_901, %masked_sort3A_902 = tpu.sort %masked_sort3A_899, %select_n3A_895 masked %masked_sort3A_896 : (vector<16xi32>, vector<16xf32>, vector<16xi1>) -> (vector<16xi1>, vector<16xi32>, vector<16xf32>)
      %masked_sort3A_903 = arith.xori %masked_sort3A_901, %masked_sort3A_898 : vector<16xi32>
      %select_n3A_904 = arith.select %eq3A_54, %add3A_872, %add3A_883 : vector<16xi1>, vector<16xf32>
      %add3A_905 = arith.addf %select_n3A_904, %masked_sort3A_902 : vector<16xf32>
      %select_n3A_906 = arith.select %eq3A_60, %add3A_905, %add3A_894 : vector<16xi1>, vector<16xf32>
      %masked_sort3A_907 = arith.constant dense<true> : vector<16xi1>
      %masked_sort3A_908 = arith.constant -2147483648 : i32
      %masked_sort3A_909 = vector.broadcast %masked_sort3A_908 : i32 to vector<16xi32>
      %masked_sort3A_910 = arith.xori %xor3A_38, %masked_sort3A_909 : vector<16xi32>
      %masked_sort3A_911, %masked_sort3A_912, %masked_sort3A_913 = tpu.sort %masked_sort3A_910, %select_n3A_906 masked %masked_sort3A_907 : (vector<16xi32>, vector<16xf32>, vector<16xi1>) -> (vector<16xi1>, vector<16xi32>, vector<16xf32>)
      %masked_sort3A_914 = arith.xori %masked_sort3A_912, %masked_sort3A_909 : vector<16xi32>
      %select_n3A_915 = arith.select %eq3A_60, %add3A_894, %add3A_905 : vector<16xi1>, vector<16xf32>
      %add3A_916 = arith.addf %select_n3A_915, %masked_sort3A_913 : vector<16xf32>
      %bitcast3A = vector.bitcast %add3A_916 : vector<16xf32> to vector<16xi32>
      %shift_right_arithmetic3A = arith.constant 1 : i32
      %shift_right_arithmetic3A_917 = vector.broadcast %shift_right_arithmetic3A : i32 to vector<16xi32>
      %shift_right_arithmetic3A_918 = arith.shrsi %bitcast3A, %shift_right_arithmetic3A_917 : vector<16xi32>
      %sub3A_919 = arith.constant 1597463007 : i32
      %sub3A_920 = vector.broadcast %sub3A_919 : i32 to vector<16xi32>
      %sub3A_921 = arith.subi %sub3A_920, %shift_right_arithmetic3A_918 : vector<16xi32>
      %bitcast3A_922 = vector.bitcast %sub3A_921 : vector<16xi32> to vector<16xf32>
      %mul3A_923 = arith.constant 5.000000e-01 : f32
      %mul3A_924 = vector.broadcast %mul3A_923 : f32 to vector<16xf32>
      %mul3A_925 = arith.mulf %mul3A_924, %add3A_916 : vector<16xf32>
      %mul3A_926 = arith.mulf %mul3A_925, %bitcast3A_922 : vector<16xf32>
      %mul3A_927 = arith.mulf %mul3A_926, %bitcast3A_922 : vector<16xf32>
      %sub3A_928 = arith.constant 1.500000e+00 : f32
      %sub3A_929 = vector.broadcast %sub3A_928 : f32 to vector<16xf32>
      %sub3A_930 = arith.subf %sub3A_929, %mul3A_927 : vector<16xf32>
      %mul3A_931 = arith.mulf %bitcast3A_922, %sub3A_930 : vector<16xf32>
      %mul3A_932 = arith.constant 5.000000e-01 : f32
      %mul3A_933 = vector.broadcast %mul3A_932 : f32 to vector<16xf32>
      %mul3A_934 = arith.mulf %mul3A_933, %add3A_916 : vector<16xf32>
      %mul3A_935 = arith.mulf %mul3A_934, %mul3A_931 : vector<16xf32>
      %mul3A_936 = arith.mulf %mul3A_935, %mul3A_931 : vector<16xf32>
      %sub3A_937 = arith.constant 1.500000e+00 : f32
      %sub3A_938 = vector.broadcast %sub3A_937 : f32 to vector<16xf32>
      %sub3A_939 = arith.subf %sub3A_938, %mul3A_936 : vector<16xf32>
      %mul3A_940 = arith.mulf %mul3A_931, %sub3A_939 : vector<16xf32>
      %mul3A_941 = arith.constant 5.000000e-01 : f32
      %mul3A_942 = vector.broadcast %mul3A_941 : f32 to vector<16xf32>
      %mul3A_943 = arith.mulf %mul3A_942, %add3A_916 : vector<16xf32>
      %mul3A_944 = arith.mulf %mul3A_943, %mul3A_940 : vector<16xf32>
      %mul3A_945 = arith.mulf %mul3A_944, %mul3A_940 : vector<16xf32>
      %sub3A_946 = arith.constant 1.500000e+00 : f32
      %sub3A_947 = vector.broadcast %sub3A_946 : f32 to vector<16xf32>
      %sub3A_948 = arith.subf %sub3A_947, %mul3A_945 : vector<16xf32>
      %mul3A_949 = arith.mulf %mul3A_940, %sub3A_948 : vector<16xf32>
      %mul3A_950 = arith.mulf %add3A_916, %mul3A_949 : vector<16xf32>
      %mul3A_951 = arith.constant 16 : i32
      %mul3A_952 = arith.muli %scan3A_66, %mul3A_951 : i32
      %swap3A = arith.index_cast %mul3A_952 : i32 to index
      %swap3A_953 = tpu.vector_load %arg15[%swap3A] {strides = array<i32>} : memref<512xf32, #tpu.memory_space<vmem>>, vector<16xf32>,
      tpu.vector_store %arg15[%swap3A], %mul3A_950 {strides = array<i32>} : memref<512xf32, #tpu.memory_space<vmem>>, vector<16xf32>,
    }
    %scan3A_65 = arith.constant 32 : i32
    "tpu.region"() ({
      %run_scoped3A = tpu.sem_alloc : memref<!tpu.dma_semaphore, #tpu.memory_space<semaphore_mem>>
      %dma_start3A_66 = tpu.memref_slice %arg7[%mul3A_2] : memref<16384xf32, #tpu.memory_space<hbm>> -> memref<512xf32, #tpu.memory_space<hbm>>
      %dma_start3A_67 = tpu.memref_slice %arg7[%mul3A_2] : memref<16384xf32, #tpu.memory_space<hbm>> -> memref<512xf32, #tpu.memory_space<hbm>>
      tpu.enqueue_dma source(%arg15 : memref<512xf32, #tpu.memory_space<vmem>>) target(%dma_start3A_67 : memref<512xf32, #tpu.memory_space<hbm>>) target_semaphore(%run_scoped3A : memref<!tpu.dma_semaphore, #tpu.memory_space<semaphore_mem>>)
      %dma_wait3A_68 = tpu.memref_slice %arg7[%mul3A_2] : memref<16384xf32, #tpu.memory_space<hbm>> -> memref<512xf32, #tpu.memory_space<hbm>>
      %dma_wait3A_69 = tpu.memref_slice %arg7[%mul3A_2] : memref<16384xf32, #tpu.memory_space<hbm>> -> memref<512xf32, #tpu.memory_space<hbm>>
      tpu.wait_dma2 semaphore(%run_scoped3A : memref<!tpu.dma_semaphore, #tpu.memory_space<semaphore_mem>>) src(%arg15 : memref<512xf32, #tpu.memory_space<vmem>>) dst(%dma_wait3A_69 : memref<512xf32, #tpu.memory_space<hbm>>)
      tpu.yield
    }) : () -> ()
    return
  }
}

</mosaic_0001>

<sc_bundles>
// kernel: kernel.3.cloned.1.call-start
scs
__scs_entry_jumppad:
0x0: {  	(pc) =	sbr.rel $0x88, $3  }
0x1: {  	(tag) =	ssettag $0x0;
	lr =	simm.s32 $0x1  }
0x2: {  	[smem:$0x3F9D] =	sst lr;
	_ =	strace $0xD0000000  }
0x3: {  	_ = 	snop  }
0x4: {  	_ = 	snop  }
0x5: {  	_ = 	snop  }
0x6: {  	_ = 	snop  }
0x7: {  	_ = 	snop  }
__scs_overlays_trampoline_lowered:
0x8: {  	[smem:$0x3FAC] =	sst s0  }
0x9: {  	[smem:$0x3FAD] =	sst s1  }
0xa: {  	[smem:$0x3FAE] =	sst s2  }
0xb: {  	[smem:$0x3FAF] =	sst s3  }
0xc: {  	[smem:$0x3FB0] =	sst s4  }
0xd: {  	[smem:$0x3FB1] =	sst s5  }
0xe: {  	[smem:$0x3FB2] =	sst s6  }
0xf: {  	[smem:$0x3FB3] =	sst s7  }
0x10: {  	[smem:$0x3FB4] =	sst s8  }
0x11: {  	[smem:$0x3FB5] =	sst s9;
	s0 =	simm.s32 @!p0 $0x0  }
0x12: {  	s1 =	sld [smem:$0x3F9B];
	s0 =	simm.s32 @p0 $0x1  }
0x13: {  	[smem:$0x3FB6] =	sst s0;
	s0 =	simm.s32 @!p1 $0x0  }
0x14: {  	s2 =	sld [smem:$0x3F9A];
	s0 =	simm.s32 @p1 $0x1  }
0x15: {  	[smem:$0x3FB7] =	sst s0;
	s0 =	simm.s32 @!p2 $0x0  }
0x16: {  	s3 =	sld [smem:$0x3FDB];
	s0 =	simm.s32 @p2 $0x1  }
0x17: {  	s4 =	simm.s32 $0x1BF5;
	[smem:$0x3FB9] =	sst s0  }
0x18: {  	s0 =	sld [smem:$0x3F9C];
	_ =	swait.ge [sflag:s4], $0x0  }
0x19: {  	s7 =	sld [smem:$0x3F9D]  }
0x1a: {  	s8 =	sadd.s32 $0xFFFFE003, lr  }
0x1b: {  	s9 =	sadd.s32 $0xFFFFFEF7, lr;
	s5 =	simm.s32 $0xFFFFFFFF;
	p2 =	slt.u32 s8, $0xFFFFF086  }
0x1c: {  	p1 =	slt.u32 s9, $0xF7A;
	s5 =	simm.s32 @!p2 $0x0  }
0x1d: {  	s5 =	simm.s32 @p1 $0x1;
	p0 =	seq.s32 s7, s2  }
0x1e: {  	s7 =	smul.u32 @!p0 $0xF7A, s2;
	p2 =	seq.s32 @!p0 s5, $0x0  }
0x1f: {  	s9 =	smul.u32 $0xF7A, s1;
	s8 =	simm.s32 @!p0 $0x1BF5;
	p2 =	por !p2, p0  }
0x20: {  	[sflag:s8] =	ssyncset.s32 @!p0 $0xFFFFF086;
	s6 =	sadd.s32 @!p0 s3, s7;
	s7 =	simm.s32 @!p0 $0x108  }
0x21: {  	s3 =	sadd.s32 s3, s9;
	s6 =	sadd.s32 @!p0 $0x88, s6;
	s7 =	simm.s32 @p2 $0x1082  }
0x22: {  	[simem:s7], [sflag:s8] =	dma.local @!p0 [hbm:s6], $0xF7A  }
0x23: {  	s9 =	sor.u32 $0xD0000000, s2;
	s6 =	simm.s32 $0x108;
	_ =	swait.ge @!p0 [sflag:s8], $0x0  }
0x24: {  	s3 =	sadd.s32 $0x88, s3;
	s6 =	simm.s32 @!p1 $0x1082;
	[sflag:s4] =	ssyncset.s32 $0xFFFFF086  }
0x25: {  	[simem:s6], [sflag:s4] =	dma.local [hbm:s3], $0xF7A  }
0x26: {  	[smem:$0x3F9D] =	sst s1;
	(tag) =	ssettag s2;
	_ =	strace s9  }
0x27: {  	s1 =	sld [smem:$0x3FAD]  }
0x28: {  	s2 =	sld [smem:$0x3FAE]  }
0x29: {  	s4 =	sld [smem:$0x3FB0]  }
0x2a: {  	p0 =	seq.s32 s5, $0x0;
	s5 =	sld [smem:$0x3FB1]  }
0x2b: {  	s6 =	sld [smem:$0x3FB2]  }
0x2c: {  	s7 =	sld [smem:$0x3FB3]  }
0x2d: {  	s3 =	simm.s32 $0x108;
	s8 =	sld [smem:$0x3FB4]  }
0x2e: {  	s3 =	simm.s32 @!p0 $0x1082;
	s9 =	sld [smem:$0x3FB5]  }
0x2f: {  	lr =	sadd.s32 s0, s3;
	s0 =	sld [smem:$0x3FAC]  }
0x30: {  	s3 =	sld [smem:$0x3FAF]  }
0x31: {  	[smem:$0x3FB8] =	sst s10  }
0x32: {  	s10 =	sld [smem:$0x3FB6];
	_ =	sdelay $0x3  }
0x33: {  	p0 =	seq.s32 s10, $0x1;
	s10 =	sld [smem:$0x3FB8];
	_ =	sdelay $0x3  }
0x34: {  	[smem:$0x3FB8] =	sst s10  }
0x35: {  	s10 =	sld [smem:$0x3FB7];
	_ =	sdelay $0x3  }
0x36: {  	p1 =	seq.s32 s10, $0x1;
	s10 =	sld [smem:$0x3FB8];
	_ =	sdelay $0x3  }
0x37: {  	[smem:$0x3FB8] =	sst s10  }
0x38: {  	s10 =	sld [smem:$0x3FB9]  }
0x39: {  	_ = 	snop;
	(pc) =	sbr.ind lr, $3  }
0x3a: {  	_ = 	snop  }
0x3b: {  	_ = 	snop  }
0x3c: {  	p2 =	seq.s32 s10, $0x1;
	s10 =	sld [smem:$0x3FB8]  }
0x3d: {  	_ =	shalt  }
0x3e: {  	_ =	shalt  }
0x3f: {  	_ =	shalt  }
0x40: {  	_ =	shalt  }
0x41: {  	_ =	shalt  }
0x42: {  	_ =	shalt  }
0x43: {  	_ =	shalt  }
0x44: {  	_ =	shalt  }
0x45: {  	_ =	shalt  }
0x46: {  	_ =	shalt  }
0x47: {  	_ =	shalt  }
0x48: {  	_ =	shalt  }
0x49: {  	_ =	shalt  }
0x4a: {  	_ =	shalt  }
0x4b: {  	_ =	shalt  }
0x4c: {  	_ =	shalt  }
0x4d: {  	_ =	shalt  }
0x4e: {  	_ =	shalt  }
0x4f: {  	_ =	shalt  }
0x50: {  	_ =	shalt  }
0x51: {  	_ =	shalt  }
0x52: {  	_ =	shalt  }
0x53: {  	_ =	shalt  }
0x54: {  	_ =	shalt  }
0x55: {  	_ =	shalt  }
0x56: {  	_ =	shalt  }
0x57: {  	_ =	shalt  }
0x58: {  	_ =	shalt  }
0x59: {  	_ =	shalt  }
0x5a: {  	_ =	shalt  }
0x5b: {  	_ =	shalt  }
0x5c: {  	_ =	shalt  }
0x5d: {  	_ =	shalt  }
0x5e: {  	_ =	shalt  }
0x5f: {  	_ =	shalt  }
0x60: {  	_ =	shalt  }
0x61: {  	_ =	shalt  }
0x62: {  	_ =	shalt  }
0x63: {  	_ =	shalt  }
0x64: {  	_ =	shalt  }
0x65: {  	_ =	shalt  }
0x66: {  	_ =	shalt  }
0x67: {  	_ =	shalt  }
0x68: {  	_ =	shalt  }
0x69: {  	_ =	shalt  }
0x6a: {  	_ =	shalt  }
0x6b: {  	_ =	shalt  }
0x6c: {  	_ =	shalt  }
0x6d: {  	_ =	shalt  }
0x6e: {  	_ =	shalt  }
0x6f: {  	_ =	shalt  }
0x70: {  	_ =	shalt  }
0x71: {  	_ =	shalt  }
0x72: {  	_ =	shalt  }
0x73: {  	_ =	shalt  }
0x74: {  	_ =	shalt  }
0x75: {  	_ =	shalt  }
0x76: {  	_ =	shalt  }
0x77: {  	_ =	shalt  }
0x78: {  	_ =	shalt  }
0x79: {  	_ =	shalt  }
0x7a: {  	_ =	shalt  }
0x7b: {  	_ =	shalt  }
0x7c: {  	_ =	shalt  }
0x7d: {  	_ =	shalt  }
0x7e: {  	_ =	shalt  }
0x7f: {  	_ =	shalt  }
0x80: {  	_ =	shalt  }
0x81: {  	_ =	shalt  }
0x82: {  	_ =	shalt  }
0x83: {  	_ =	shalt  }
0x84: {  	_ =	shalt  }
0x85: {  	_ =	shalt  }
0x86: {  	_ =	shalt  }
0x87: {  	_ =	shalt  }
.Lfunc_end0:
.L_simem_size_0:
called_computation_lowered:
.L_overlay_start_0:
0x88: {  	s2 =	sld [smem:$0x3FD9]  }
0x89: {  	s3 =	sld [smem:$0x3FFE];
	_ =	sdelay $0x1  }
0x8a: {  	s1 =	srdreg.scid  }
0x8b: {  	s0 =	sand.u32 $0x1, s1  }
0x8c: {  	s17 =	sshll.u32 s0, $0xA;
	s2 =	sadd.s32 s3, s2  }
0x8d: {  	s2 =	sadd.s32 s2, s17  }
0x8e: {  	[smem:$0x3FC4] =	sst s2  }
0x8f: {  	_ = 	snop  }
0x90: {  	s2 =	sld [smem:$0x3FC8]  }
0x91: {  	s18 =	sld [smem:$0x3FC6]  }
0x92: {  	s4 =	sld [smem:$0x3FD0];
	(tm) =	ssettm $0x1  }
0x93: {  	s5 =	sld [smem:$0x3FFB];
	_ =	sdelay $0x3  }
0x94: {  	_ =	strace s5  }
0x95: {  	s5 =	sld [smem:$0x3FFC];
	_ =	sdelay $0x3  }
0x96: {  	_ =	strace s5  }
0x97: {  	s5 =	sld [smem:$0x3FFD];
	_ =	sdelay $0x3  }
0x98: {  	_ =	strace s5  }
0x99: {  	_ =	strace $0x8FFFFFFF  }
0x9a: {  	s19 =	sld [smem:$0x3FDB];
	_ =	sdelay $0x1  }
0x9b: {  	s6 =	simm.s32 $_scs_section_size  }
0x9c: {  	s7 =	simm.s32 $_size__tile_overlayer_lowered;
	s8 =	simm.s32 $_tile_overlayer_lowered  }
0x9d: {  	s22 =	simm.s32 $0x1BFF;
	s21 =	sshll.u32 s8, $0x1;
	s5 =	sadd.s32 s6, s19  }
0x9e: {  	s9 =	simm.s32 $0x0;
	s20 =	sshll.u32 s7, $0x1;
	s7 =	sadd.s32 s21, s5  }
0x9f: {  	[timem:s9], [sflag:s22] =	dma.local [hbm:s7], s20  }
0xa0: {  	_ =	swait.ge [sflag:s22], s20  }
0xa1: {  	s6 =	ssub.s32 $0x0, s20;
	[sflag:s22] =	ssyncset.done $0x0  }
0xa2: {  	[sflag:s22] =	ssyncadd.s32 s6;
	_ =	sdelay $0x1  }
0xa3: {  	s23 =	simm.s32 $0x1B8B  }
0xa4: {  	_ =	swait.ge [sflag:s23], $0x1  }
0xa5: {  	[sflag:s23] =	ssyncset.done $0x0  }
0xa6: {  	s25 =	simm.s32 $0x1B8E;
	s24 =	sld [smem:$0x3FFE];
	[sflag:s23] =	ssyncadd.s32 $0xFFFFFFFF  }
0xa7: {  	s26 =	simm.s32 $execute0_lowered;
	[smem:$0x3FD2] =	sst s25  }
0xa8: {  	s7 =	sshll.u32 s26, $0x1;
	_ =	strace $0x80000046;
	[dreg:$0x1] =	wrdreg $0xFFFFFFFF  }
0xa9: {  	s28 =	simm.s32 $_size_execute0_lowered;
	s5 =	sadd.s32 s5, s7;
	[dreg:$0x0] =	wrdreg $0x0  }
0xaa: {  	s7 =	sshll.u32 s28, $0x1;
	[dreg:$0x2] =	wrdreg s5  }
0xab: {  	[dreg:$0x3] =	wrdreg s7  }
0xac: {  	[dreg:$0x4] =	wrdreg $0xC0  }
0xad: {  	_ =	task [dreg:s9], $0x5FFFF  }
0xae: {  	[dreg:$0x1] =	wrdreg $0xFFFFFFFF  }
0xaf: {  	[dreg:$0x0] =	wrdreg $0x60  }
0xb0: {  	[dreg:$0x2] =	wrdreg s24  }
0xb1: {  	[dreg:$0x3] =	wrdreg s2  }
0xb2: {  	[dreg:$0x4] =	wrdreg s18  }
0xb3: {  	[dreg:$0x5] =	wrdreg s4  }
0xb4: {  	[dreg:$0x6] =	wrdreg $0x9  }
0xb5: {  	_ =	task.clear_ibuf [dreg:s9], $0x7FFFF;
	_ =	strace $0x90000046  }
0xb6: {  	s29 =	simm.s32 $0x9;
	_ =	strace $0x80000048  }
0xb7: {  	_ =	swait.ge [sflag:s29], $0x1  }
0xb8: {  	[sflag:s29] =	ssyncadd.s32 $0xFFFFFFFF  }
0xb9: {  	_ =	strace $0x90000048  }
0xba: {  	_ =	sfence  }
0xbb: {  	s30 =	sld [smem:$0x0];
	_ =	sdelay $0x2  }
0xbc: {  	s31 =	sshll.u32 s1, $0xD;
	s1 =	sshrl.u32 s1, $0x2  }
0xbd: {  	s3 =	sand.u32 $0x4000, s31;
	s1 =	sadd.s32 s1, s30  }
0xbe: {  	s0 =	sor.u32 s3, s0;
	s1 =	sshll.u32 s1, $0x11  }
0xbf: {  	s0 =	sor.u32 s1, s0  }
0xc0: {  	s0 =	sadd.s32 $0x8F2B, s0  }
0xc1: {  	[sflag:s0] =	ssyncadd.remote.s32 $0x1  }
0xc2: {  	_ =	sfence.sel $0xFFFF  }
0xc3: {  	[dreg:$0x0] =	wrdreg $0xFFFFFFFF;
	(pc) =	sbr.abs _section_cstart, $3  }
0xc4: {  	[dreg:$0x1] =	wrdreg $0xFFFFFFFF  }
0xc5: {  	_ =	task.clear_ibuf [dreg:s9], $0x2FFFF;
	_ =	strace $0x9FFFFFFF  }
0xc6: {  	(tm) =	ssettm $0x7FFFFFFF  }
0xc7: {  	_ =	shalt  }
tec
execute0_lowered:
.L_overlay_start_1:
0x0: {  	(tag) =	ssettag $0x1  }
0x1: {  	vm3 =	vcmask $0xB08  }
0x2: {  	vm4 =	vcmask $0x300;
	vm2 =	vcmask $0x1310;
	v0 =	vimm.s32 $0x8000000E  }
0x3: {  	vm1 =	vcmask $0x1710;
	vm5 =	vcmask $0x700;
	vm6 =	vcmask $0x704  }
0x4: {  	v1 =	vimm.s32 $0x8000000D;
	v2 =	vimm.s32 $0x8000000B;
	v3 =	vimm.s32 $0x80000007  }
0x5: {  	vm15 =	vcmask $0x1714;
	vm0 =	vmor vm4, vm3;
	v0 =	vsel vm4, $0x80000001, v0  }
0x6: {  	vm1 =	vmor vm5, vm1;
	vm5 =	vcmask $0x2720;
	v1 =	vsel vm4, $0x80000002, v1  }
0x7: {  	v2 =	vsel vm4, $0x80000004, v2;
	v3 =	vsel vm4, $0x80000008, v3;
	vm4 =	vcmask $0xF0C  }
0x8: {  	vm1 =	vmor vm1, vm5;
	vm5 =	vcmask $0x3730;
	vm7 =	vmor vm0, vm2  }
0x9: {  	v0 =	vsel vm6, $0x80000000, v0;
	v1 =	vsel vm6, $0x80000003, v1;
	v2 =	vsel vm6, $0x80000005, v2  }
0xa: {  	v3 =	vsel vm6, $0x80000009, v3;
	vm0 =	vmor vm1, vm5;
	vm1 =	vcmask $0x1B18  }
0xb: {  	v0 =	vsel vm3, $0x80000003, v0;
	v1 =	vsel vm3, $0x80000000, v1;
	v2 =	vsel vm3, $0x80000006, v2  }
0xc: {  	v3 =	vsel vm3, $0x8000000A, v3;
	vm3 =	vcmask $0x2320;
	v0 =	vsel vm4, $0x80000002, v0  }
0xd: {  	vm5 =	vmor vm7, vm1;
	v1 =	vsel vm4, $0x80000001, v1;
	v2 =	vsel vm4, $0x80000007, v2  }
0xe: {  	v3 =	vsel vm4, $0x8000000B, v3;
	v0 =	vsel vm2, $0x80000005, v0;
	vm4 =	vmor vm5, vm3  }
0xf: {  	v1 =	vsel vm2, $0x80000006, v1;
	v2 =	vsel vm2, $0x80000000, v2;
	v3 =	vsel vm2, $0x8000000C, v3  }
0x10: {  	s17 =	simm.s32 $0x800;
	vm5 =	vcmask $0x1F1C;
	vm2 =	vcmask $0x2B28;
	v0 =	vsel vm15, $0x80000004, v0  }
0x11: {  	s6 =	rddreg [dreg:$0x0];
	s5 =	srdreg.scid;
	v1 =	vsel vm15, $0x80000007, v1;
	v2 =	vsel vm15, $0x80000001, v2;
	v3 =	vsel vm15, $0x8000000D, v3  }
0x12: {  	s8 =	sand.u32 $0x1, s5;
	s5 =	sadd.s32 $0xF43A00, s6;
	vm4 =	vmor vm4, vm2;
	v0 =	vsel vm1, $0x80000007, v0;
	v1 =	vsel vm1, $0x80000004, v1  }
0x13: {  	s0 =	rddreg [dreg:$0x1];
	v2 =	vsel vm1, $0x80000002, v2;
	v3 =	vsel vm1, $0x8000000E, v3;
	vm1 =	vcmask $0x2724  }
0x14: {  	s1 =	rddreg [dreg:$0x2];
	s3 =	simm.s32 $0x0;
	v0 =	vsel vm5, $0x80000006, v0;
	v1 =	vsel vm5, $0x80000005, v1;
	v2 =	vsel vm5, $0x80000003, v2  }
0x15: {  	[smem:$0x7FF] =	sst s3;
	v3 =	vsel vm5, $0x8000000F, v3;
	vm5 =	vcmask $0x3330;
	v0 =	vsel vm3, $0x80000009, v0  }
0x16: {  	s12 =	rddreg [dreg:$0x3];
	v1 =	vsel vm3, $0x8000000A, v1;
	v2 =	vsel vm3, $0x8000000C, v2;
	v3 =	vsel vm3, $0x80000000, v3  }
0x17: {  	s2 =	rddreg [dreg:$0x4];
	s18 =	simm.s32 $0x8800;
	_ =	strace $0x80000047;
	vm3 =	vmor vm4, vm5;
	vm4 =	vcmask $0xF00;
	v0 =	vsel vm1, $0x80000008, v0  }
0x18: {  	v1 =	vsel vm1, $0x8000000B, v1;
	v2 =	vsel vm1, $0x8000000D, v2;
	v3 =	vsel vm1, $0x80000001, v3  }
0x19: {  	s19 =	simm.s32 $0x10840;
	vm1 =	vcmask $0x2F2C;
	v0 =	vsel vm2, $0x8000000B, v0;
	v1 =	vsel vm2, $0x80000008, v1  }
0x1a: {  	s4 =	stileid.u32;
	v2 =	vsel vm2, $0x8000000E, v2;
	v3 =	vsel vm2, $0x80000002, v3;
	vm2 =	vcmask $0x3734  }
0x1b: {  	s31 =	sshll.u32 s4, $0x7;
	v0 =	vsel vm1, $0x8000000A, v0;
	v1 =	vsel vm1, $0x80000009, v1;
	v2 =	vsel vm1, $0x8000000F, v2  }
0x1c: {  	s7 =	sshll.u32 s8, $0x6;
	s10 =	ssub.s32 $0x2, s8;
	s8 =	simm.s32 $0x10800;
	v3 =	vsel vm1, $0x80000003, v3;
	vm1 =	vcmask $0x2F20;
	v0 =	vsel vm5, $0x8000000D, v0  }
0x1d: {  	s15 =	simm.s32 $0x1;
	s13 =	sor.u32 s7, s31;
	s11 =	sshrl.u32 s10, $0x1;
	v1 =	vsel vm5, $0x8000000E, v1;
	v2 =	vsel vm5, $0x80000008, v2;
	v3 =	vsel vm5, $0x80000004, v3  }
0x1e: {  	s7 =	simm.s32 $0x200;
	s14 =	ssub.s32 s10, s11;
	s10 =	simm.s32 $0x400;
	vm1 =	vmor vm4, vm1;
	vm4 =	vcmask $0x3B38;
	v0 =	vsel vm2, $0x8000000C, v0  }
0x1f: {  	s16 =	simm.s32 $0x2;
	s20 =	simm.s32 $0x0;
	s9 =	sadd.s32 s13, s6;
	v1 =	vsel vm2, $0x8000000F, v1;
	v2 =	vsel vm2, $0x80000009, v2;
	v3 =	vsel vm2, $0x80000005, v3  }
0x20: {  	s11 =	simm.s32 $0x600;
	s6 =	sadd.s32 $0xE00, s9;
	s9 =	sadd.s32 $0x600, s9;
	vm2 =	vmor vm3, vm4;
	vm3 =	vmmov $0xff;
	v0 =	vsel vm4, $0x8000000F, v0  }
0x21: {  	s12 =	sadd.s32 s12, s13;
	s13 =	smax.u32 s14, $0x1;
	s14 =	simm.s32 $0x3;
	v1 =	vsel vm4, $0x8000000C, v1;
	v2 =	vsel vm4, $0x8000000A, v2;
	v3 =	vsel vm4, $0x80000006, v3  }
.LBB2_1:
0x22: {  	[tilespmem:s3], [sflag:$0x3] =	stream.linear.gather [hbm4b:s6+s3], $0x200, $0x38;
	[tilespmem:$0x10A40] =	vst v63  }
0x23: {  	_ =	swait.ge [sflag:s14], $0x200  }
0x24: {  	[sflag:s14] =	ssyncset.done $0x0  }
0x25: {  	[sflag:s14] =	ssyncadd.s32 $0xFFFFFE00  }
0x26: {  	[tilespmem:s7], [sflag:$0x3] =	stream.linear.gather [hbm4b:s9+s3], $0x200, $0x38;
	[tilespmem:$0x10A40] =	vst v63  }
0x27: {  	_ =	swait.ge [sflag:s14], $0x200  }
0x28: {  	[sflag:s14] =	ssyncset.done $0x0  }
0x29: {  	[sflag:s14] =	ssyncadd.s32 $0xFFFFFE00  }
0x2a: {  	[tilespmem:s8], [sflag:$0x3] =	stream.linear.gather [hbm4b:s1+s3], $0x40, $0x38;
	[tilespmem:$0x10A40] =	vst v63  }
0x2b: {  	_ =	swait.ge [sflag:s14], $0x40  }
0x2c: {  	[sflag:s14] =	ssyncset.done $0x0  }
0x2d: {  	[sflag:s14] =	ssyncadd.s32 $0xFFFFFFC0  }
0x2e: {  	[tilespmem:s10], [sflag:$0x1] =	stream.indirect.gather [hbm4b:s0+s7], $0x1, s3, s7, $0xb8;
	[tilespmem:$0x10A40] =	vst v63  }
0x2f: {  	_ = 	snop  }
0x30: {  	[tilespmem:s11], [sflag:$0x2] =	stream.indirect.gather [hbm4b:s0+s7], $0x1, s7, s7, $0xb8;
	[tilespmem:$0x10A40] =	vst v63  }
0x31: {  	_ =	swait.ge [sflag:s15], $0x200  }
0x32: {  	[sflag:s15] =	ssyncset.done $0x0  }
0x33: {  	[sflag:s15] =	ssyncadd.s32 $0xFFFFFE00  }
0x34: {  	_ =	swait.ge [sflag:s16], $0x200  }
0x35: {  	[sflag:s16] =	ssyncset.done $0x0  }
0x36: {  	[sflag:s16] =	ssyncadd.s32 $0xFFFFFE00  }
0x37: {  	[tilespmem:s17], [sflag:$0x1] =	stream.indirect.gather [hbm4b:s5+s7], $0x40, s10, s7, $0xb8;
	[tilespmem:$0x10A40] =	vst v63  }
0x38: {  	_ = 	snop  }
0x39: {  	[tilespmem:s18], [sflag:$0x2] =	stream.indirect.gather [hbm4b:s5+s7], $0x40, s11, s7, $0xb8;
	[tilespmem:$0x10A40] =	vst v63  }
0x3a: {  	_ =	swait.ge [sflag:s15], $0x8000  }
0x3b: {  	[sflag:s15] =	ssyncset.done $0x0  }
0x3c: {  	[sflag:s15] =	ssyncadd.s32 $0xFFFF8000  }
0x3d: {  	_ =	swait.ge [sflag:s16], $0x8000  }
0x3e: {  	[sflag:s16] =	ssyncset.done $0x0  }
0x3f: {  	[sflag:s16] =	ssyncadd.s32 $0xFFFF8000  }
0x40: {  	v4 =	vld [tilespmem:$0x10800]  }
0x41: {  	v5 =	vld [tilespmem:$0x10810]  }
0x42: {  	v6 =	vld [tilespmem:$0x10820]  }
0x43: {  	s21 =	simm.s32 $0x10840;
	s22 =	simm.s32 $0x0;
	v7 =	vld [tilespmem:$0x10830]  }
.LBB2_2:
0x44: {  	s23 =	sshra.s32 s22, $0x2  }
0x45: {  	v8 =	vld [tilespmem:s23+$0x800]  }
0x46: {  	v9 =	vld [tilespmem:s23+$0x8800]  }
0x47: {  	v10 =	vld [tilespmem:s23+$0x810]  }
0x48: {  	v11 =	vld [tilespmem:s23+$0x8810]  }
0x49: {  	v12 =	vld [tilespmem:s23+$0x820]  }
0x4a: {  	v13 =	vld [tilespmem:s23+$0x8820]  }
0x4b: {  	v14 =	vld [tilespmem:s23+$0x830]  }
0x4c: {  	v15 =	vld [tilespmem:s23+$0x8830]  }
0x4d: {  	v16 =	vld [tilespmem:s23+$0x840]  }
0x4e: {  	v17 =	vld [tilespmem:s23+$0x8840]  }
0x4f: {  	v18 =	vld [tilespmem:s23+$0x850]  }
0x50: {  	v19 =	vld [tilespmem:s23+$0x8850]  }
0x51: {  	v20 =	vld [tilespmem:s23+$0x860]  }
0x52: {  	v21 =	vld [tilespmem:s23+$0x8860]  }
0x53: {  	v22 =	vld [tilespmem:s23+$0x870]  }
0x54: {  	v23 =	vld [tilespmem:s23+$0x8870]  }
0x55: {  	v24 =	vld [tilespmem:s23+$0x880]  }
0x56: {  	v25 =	vld [tilespmem:s23+$0x8880]  }
0x57: {  	v26 =	vld [tilespmem:s23+$0x890]  }
0x58: {  	v27 =	vld [tilespmem:s23+$0x8890]  }
0x59: {  	v28 =	vld [tilespmem:s23+$0x8A0]  }
0x5a: {  	v29 =	vld [tilespmem:s23+$0x88A0]  }
0x5b: {  	v30 =	vld [tilespmem:s23+$0x8B0]  }
0x5c: {  	v31 =	vld [tilespmem:s23+$0x88B0]  }
0x5d: {  	v32 =	vld [tilespmem:s23+$0x8C0]  }
0x5e: {  	v33 =	vld [tilespmem:s23+$0x88C0]  }
0x5f: {  	v34 =	vld [tilespmem:s23+$0x8D0]  }
0x60: {  	v35 =	vld [tilespmem:s23+$0x88D0]  }
0x61: {  	v36 =	vld [tilespmem:s23+$0x8E0]  }
0x62: {  	v37 =	vld [tilespmem:s23+$0x88E0]  }
0x63: {  	v38 =	vld [tilespmem:s23+$0x8F0]  }
0x64: {  	v39 =	vld [tilespmem:s23+$0x88F0]  }
0x65: {  	v40 =	vld [tilespmem:s23+$0x900]  }
0x66: {  	v41 =	vld [tilespmem:s23+$0x8900]  }
0x67: {  	v42 =	vld [tilespmem:s23+$0x910]  }
0x68: {  	v43 =	vld [tilespmem:s23+$0x8910]  }
0x69: {  	v44 =	vld [tilespmem:s23+$0x920]  }
0x6a: {  	v45 =	vld [tilespmem:s23+$0x8920]  }
0x6b: {  	v46 =	vld [tilespmem:s23+$0x930]  }
0x6c: {  	v47 =	vld [tilespmem:s23+$0x8930]  }
0x6d: {  	v48 =	vld [tilespmem:s23+$0x940]  }
0x6e: {  	v51 =	vsub.f32 v12, v13;
	v12 =	vld [tilespmem:s23+$0x8940]  }
0x6f: {  	v13 =	vld [tilespmem:s23+$0x950]  }
0x70: {  	v52 =	vsub.f32 v16, v17;
	v17 =	vld [tilespmem:s23+$0x8950]  }
0x71: {  	v14 =	vsub.f32 v14, v15;
	v15 =	vld [tilespmem:s23+$0x960]  }
0x72: {  	v53 =	vsub.f32 v18, v19;
	v19 =	vld [tilespmem:s23+$0x8960]  }
0x73: {  	v54 =	vsub.f32 v20, v21;
	v20 =	vld [tilespmem:s23+$0x8970]  }
0x74: {  	v21 =	vld [tilespmem:s23+$0x980]  }
0x75: {  	v60 =	vsub.f32 v24, v25;
	v25 =	vld [tilespmem:s23+$0x990]  }
0x76: {  	v61 =	vsub.f32 v26, v27;
	v26 =	vld [tilespmem:s23+$0x8990]  }
0x77: {  	v8 =	vsub.f32 v8, v9;
	v50 =	vsub.f32 v32, v33;
	v32 =	vld [tilespmem:s23+$0x89A0]  }
0x78: {  	v63 =	vsub.f32 v10, v11;
	v22 =	vsub.f32 v22, v23;
	v23 =	vld [tilespmem:s23+$0x9B0]  }
0x79: {  	v33 =	vld [tilespmem:s23+$0x89B0];
	v30 =	vsub.f32 v30, v31;
	v46 =	vsub.f32 v46, v47  }
0x7a: {  	v31 =	vld [tilespmem:s23+$0x9D0];
	v8 =	vadd.f32 v8, v4;
	v9 =	vadd.f32 v63, v5  }
0x7b: {  	v10 =	vadd.f32 v51, v6;
	v56 =	vadd.f32 v14, v7;
	v14 =	vld [tilespmem:s23+$0x970]  }
0x7c: {  	v11 =	vadd.f32 v52, v4;
	v52 =	vsub.f32 v28, v29;
	v28 =	vld [tilespmem:s23+$0x9C0]  }
0x7d: {  	v16 =	vadd.f32 v53, v5;
	v18 =	vadd.f32 v54, v6;
	v54 =	vld [tilespmem:s23+$0x89C0]  }
0x7e: {  	v63 =	vadd.f32 v60, v4;
	v53 =	vsub.f32 v36, v37;
	v36 =	vld [tilespmem:s23+$0x9E0]  }
0x7f: {  	v49 =	vadd.f32 v61, v5;
	v51 =	vsub.f32 v34, v35;
	v29 =	vld [tilespmem:s23+$0xA80]  }
0x80: {  	v24 =	vadd.f32 v50, v4;
	v34 =	vld [tilespmem:s23+$0xAA0];
	v8 =	vmul.f32 v8, v8;
	v9 =	vmul.f32 v9, v9  }
0x81: {  	v22 =	vadd.f32 v22, v7;
	v55 =	vmul.f32 v10, v10;
	v59 =	vmul.f32 v18, v18;
	v18 =	vld [tilespmem:s23+$0x9A0]  }
0x82: {  	v30 =	vadd.f32 v30, v7;
	v11 =	vmul.f32 v11, v11;
	v57 =	vmul.f32 v56, v56;
	v56 =	vld [tilespmem:s23+$0x89D0]  }
0x83: {  	v10 =	vmul.f32 v63, v63;
	v27 =	vadd.f32 v51, v5;
	v63 =	vld [tilespmem:s23+$0x8A20];
	v12 =	vsub.f32 v48, v12  }
0x84: {  	v16 =	vmul.f32 v16, v16;
	v51 =	vld [tilespmem:s23+$0x8A50];
	v13 =	vsub.f32 v13, v17;
	v15 =	vsub.f32 v15, v19  }
0x85: {  	v17 =	vld [tilespmem:s23+$0x8A10];
	v25 =	vsub.f32 v25, v26;
	v8 =	vadd.f32 v9, v8  }
0x86: {  	v19 =	vld [tilespmem:s23+$0xA30];
	v58 =	vadd.f32 v16, v11;
	v12 =	vadd.f32 v12, v4  }
0x87: {  	v26 =	vld [tilespmem:s23+$0x8AF0];
	v13 =	vadd.f32 v13, v5;
	v15 =	vadd.f32 v15, v6  }
0x88: {  	v24 =	vmul.f32 v24, v24;
	v16 =	vld [tilespmem:s23+$0x8980];
	v14 =	vsub.f32 v14, v20;
	v25 =	vadd.f32 v25, v5  }
0x89: {  	v11 =	vmul.f32 v49, v49;
	v20 =	vld [tilespmem:s23+$0xA40];
	v54 =	vsub.f32 v28, v54;
	v8 =	vadd.f32 v55, v8  }
0x8a: {  	v27 =	vmul.f32 v27, v27;
	v62 =	vadd.f32 v59, v58;
	v58 =	vsub.f32 v40, v41;
	v40 =	vld [tilespmem:s23+$0x9F0]  }
0x8b: {  	v10 =	vadd.f32 v11, v10;
	v11 =	vadd.f32 v52, v6;
	v41 =	vld [tilespmem:s23+$0xA00]  }
0x8c: {  	v22 =	vmul.f32 v22, v22;
	v24 =	vadd.f32 v27, v24;
	v59 =	vsub.f32 v42, v43;
	v43 =	vld [tilespmem:s23+$0x8A30]  }
0x8d: {  	v55 =	vadd.f32 v53, v6;
	v42 =	vadd.f32 v46, v7;
	v46 =	vld [tilespmem:s23+$0x8AC0];
	v12 =	vmul.f32 v12, v12  }
0x8e: {  	v13 =	vmul.f32 v13, v13;
	v14 =	vadd.f32 v14, v7;
	v18 =	vsub.f32 v18, v32;
	v32 =	vld [tilespmem:s23+$0x8A60]  }
0x8f: {  	v53 =	vmul.f32 v25, v25;
	v8 =	vadd.f32 v57, v8;
	v57 =	vsub.f32 v38, v39;
	v38 =	vld [tilespmem:s23+$0x89E0]  }
0x90: {  	v25 =	vadd.f32 v54, v4;
	v11 =	vmul.f32 v11, v11;
	v37 =	vadd.f32 v58, v4;
	v58 =	vld [tilespmem:s23+$0x8A80]  }
0x91: {  	v27 =	vmul.f32 v55, v55;
	v39 =	vadd.f32 v59, v5;
	v55 =	vsub.f32 v31, v56;
	v59 =	vld [tilespmem:s23+$0xA90]  }
0x92: {  	v50 =	vmul.f32 v42, v42;
	v42 =	vld [tilespmem:s23+$0xB00];
	v12 =	vadd.f32 v13, v12;
	v48 =	vsub.f32 v21, v16  }
0x93: {  	v30 =	vmul.f32 v30, v30;
	v16 =	vld [tilespmem:s23+$0xA50];
	v18 =	vadd.f32 v18, v6;
	v35 =	vadd.f32 v57, v7  }
0x94: {  	v47 =	vmul.f32 v15, v15;
	v21 =	vld [tilespmem:s23+$0xA70];
	v11 =	vadd.f32 v11, v10;
	v24 =	vadd.f32 v27, v24  }
0x95: {  	v14 =	vmul.f32 v14, v14;
	v27 =	vld [tilespmem:s23+$0x89F0];
	v10 =	vadd.f32 v22, v62;
	v62 =	vsub.f32 v44, v45  }
0x96: {  	v25 =	vmul.f32 v25, v25;
	v22 =	vld [tilespmem:s23+$0x8A00];
	v57 =	vsub.f32 v23, v33;
	v28 =	vadd.f32 v55, v5  }
0x97: {  	v60 =	vmul.f32 v37, v37;
	v37 =	vld [tilespmem:s23+$0xA20];
	v13 =	vadd.f32 v47, v12;
	v15 =	vadd.f32 v48, v4  }
0x98: {  	v44 =	vld [tilespmem:s23+$0x8A40];
	v56 =	vmul.f32 v18, v18;
	v19 =	vsub.f32 v19, v43;
	v9 =	vadd.f32 v30, v11  }
0x99: {  	v55 =	vld [tilespmem:s23+$0xB10];
	v35 =	vmul.f32 v35, v35;
	v30 =	vadd.f32 v62, v6;
	v18 =	vadd.f32 v57, v7  }
0x9a: {  	v61 =	vmul.f32 v39, v39;
	v47 =	vld [tilespmem:s23+$0xAD0];
	v13 =	vadd.f32 v14, v13;
	v19 =	vadd.f32 v19, v7  }
0x9b: {  	v48 =	vld [tilespmem:s23+$0x8AD0];
	v28 =	vmul.f32 v28, v28;
	v23 =	vsub.f32 v29, v58;
	v11 =	vadd.f32 v35, v24  }
0x9c: {  	v43 =	vld [tilespmem:s23+$0xB40];
	v52 =	vmul.f32 v15, v15;
	v24 =	vadd.f32 v61, v60;
	v60 =	vsub.f32 v36, v38  }
0x9d: {  	v62 =	vld [tilespmem:s23+$0x8AA0];
	v25 =	vadd.f32 v28, v25;
	v16 =	vsub.f32 v16, v51  }
0x9e: {  	v57 =	vld [tilespmem:s23+$0x8B10];
	v14 =	vadd.f32 v53, v52;
	v22 =	vsub.f32 v41, v22  }
0x9f: {  	v35 =	vld [tilespmem:s23+$0xA10];
	v30 =	vmul.f32 v30, v30;
	v27 =	vsub.f32 v40, v27;
	v37 =	vsub.f32 v37, v63  }
0xa0: {  	v61 =	vld [tilespmem:s23+$0x8A90];
	v20 =	vsub.f32 v20, v44;
	v23 =	vadd.f32 v23, v4  }
0xa1: {  	v28 =	vld [tilespmem:s23+$0xAB0];
	v49 =	vadd.f32 v30, v24;
	v15 =	vadd.f32 v60, v6  }
0xa2: {  	v51 =	vld [tilespmem:s23+$0x8AE0];
	v16 =	vadd.f32 v16, v5;
	v40 =	vsub.f32 v47, v48  }
0xa3: {  	v63 =	vld [tilespmem:s23+$0xAC0];
	v14 =	vadd.f32 v56, v14;
	v22 =	vadd.f32 v22, v4  }
0xa4: {  	v41 =	vld [tilespmem:s23+$0x8B30];
	v45 =	vadd.f32 v27, v7;
	v37 =	vadd.f32 v37, v6  }
0xa5: {  	v18 =	vmul.f32 v18, v18;
	v30 =	vld [tilespmem:s23+$0xA60];
	v20 =	vadd.f32 v20, v4;
	v62 =	vsub.f32 v34, v62  }
0xa6: {  	v24 =	vld [tilespmem:s23+$0x8A70];
	v12 =	vadd.f32 v50, v49;
	v15 =	vmul.f32 v15, v15;
	v33 =	vadd.f32 v40, v5  }
0xa7: {  	v44 =	vld [tilespmem:s23+$0x8B40];
	v52 =	vmul.f32 v16, v16;
	v17 =	vsub.f32 v35, v17;
	v14 =	vadd.f32 v18, v14  }
0xa8: {  	v35 =	vld [tilespmem:s23+$0x8AB0];
	v20 =	vmul.f32 v20, v20;
	v56 =	vsub.f32 v59, v61;
	v15 =	vadd.f32 v15, v25  }
0xa9: {  	v18 =	vld [tilespmem:s23+$0x8B00];
	v27 =	vsub.f32 v63, v46;
	v17 =	vadd.f32 v17, v5  }
0xaa: {  	v59 =	vld [tilespmem:s23+$0xB20];
	v30 =	vsub.f32 v30, v32;
	v53 =	vadd.f32 v52, v20  }
0xab: {  	v61 =	vld [tilespmem:s23+$0x8B20];
	v25 =	vmul.f32 v45, v45;
	v58 =	vsub.f32 v21, v24;
	v60 =	vadd.f32 v56, v5  }
0xac: {  	v23 =	vmul.f32 v23, v23;
	v49 =	vld [tilespmem:s23+$0xAE0];
	v20 =	vsub.f32 v55, v57;
	v56 =	vsub.f32 v43, v44  }
0xad: {  	v22 =	vmul.f32 v22, v22;
	v63 =	vld [tilespmem:s23+$0xB30];
	v16 =	vadd.f32 v25, v15;
	v27 =	vadd.f32 v27, v4  }
0xae: {  	v32 =	vld [tilespmem:s23+$0xAF0];
	v17 =	vmul.f32 v17, v17;
	v30 =	vadd.f32 v30, v6;
	v20 =	vadd.f32 v20, v5  }
0xaf: {  	v47 =	vld [tilespmem:s23+$0x8B50];
	v50 =	vmul.f32 v37, v37;
	v48 =	vsub.f32 v28, v35;
	v18 =	vsub.f32 v42, v18  }
0xb0: {  	v40 =	vld [tilespmem:s23+$0x8BC0];
	v24 =	vmul.f32 v60, v60;
	v21 =	vsub.f32 v59, v61;
	v17 =	vadd.f32 v17, v22  }
0xb1: {  	v46 =	vld [tilespmem:s23+$0xB50];
	v54 =	vmul.f32 v30, v30;
	v30 =	vadd.f32 v62, v6;
	v22 =	vsub.f32 v49, v51  }
0xb2: {  	v33 =	vmul.f32 v33, v33;
	v52 =	vld [tilespmem:s23+$0xB70];
	v23 =	vadd.f32 v24, v23;
	v31 =	vsub.f32 v63, v41  }
0xb3: {  	v55 =	vld [tilespmem:s23+$0x8B80];
	v27 =	vmul.f32 v27, v27;
	v26 =	vsub.f32 v32, v26;
	v18 =	vadd.f32 v18, v4  }
0xb4: {  	v19 =	vmul.f32 v19, v19;
	v60 =	vld [tilespmem:s23+$0x8BA0];
	v21 =	vadd.f32 v21, v6;
	v17 =	vadd.f32 v50, v17  }
0xb5: {  	v59 =	vld [tilespmem:s23+$0xBA0];
	v20 =	vmul.f32 v20, v20;
	v22 =	vadd.f32 v22, v6;
	v50 =	vadd.f32 v33, v27  }
0xb6: {  	v49 =	vld [tilespmem:s23+$0xB60];
	v45 =	vmul.f32 v30, v30;
	v30 =	vsub.f32 v46, v47;
	v33 =	vadd.f32 v56, v4  }
0xb7: {  	v51 =	vld [tilespmem:s23+$0x8B60];
	v62 =	vadd.f32 v31, v7;
	v26 =	vadd.f32 v26, v7;
	v18 =	vmul.f32 v18, v18  }
0xb8: {  	v57 =	vld [tilespmem:s23+$0xB90];
	v61 =	vmul.f32 v21, v21;
	v15 =	vadd.f32 v19, v17;
	v17 =	vadd.f32 v54, v53  }
0xb9: {  	v63 =	vld [tilespmem:s23+$0xBC0];
	v19 =	vadd.f32 v58, v7;
	v23 =	vadd.f32 v45, v23;
	v22 =	vmul.f32 v22, v22  }
0xba: {  	v42 =	vld [tilespmem:s23+$0xBD0];
	v30 =	vadd.f32 v30, v5;
	v33 =	vmul.f32 v33, v33;
	v41 =	vmul.f32 v62, v62  }
0xbb: {  	v47 =	vld [tilespmem:s23+$0xBE0];
	v28 =	vsub.f32 v59, v60;
	v59 =	vsel vm2, v10, v8;
	v60 =	vsel vm2, v11, v9  }
0xbc: {  	v53 =	vld [tilespmem:s23+$0x8B70];
	v62 =	vsel vm2, v16, v14;
	v26 =	vmul.f32 v26, v26;
	v27 =	vsub.f32 v49, v51  }
0xbd: {  	v54 =	vld [tilespmem:s23+$0xB80];
	v18 =	vadd.f32 v20, v18;
	(xrf1) =	vsort.ascd.msk.u32 $0xffff, v0, v59;
	v22 =	vadd.f32 v22, v50  }
0xbe: {  	v58 =	vld [tilespmem:s23+$0x8B90];
	v19 =	vmul.f32 v19, v19;
	v50 =	vsub.f32 v63, v40;
	v28 =	vadd.f32 v28, v6  }
0xbf: {  	v45 =	vld [tilespmem:s23+$0x8BD0];
	v30 =	vmul.f32 v30, v30;
	v27 =	vadd.f32 v27, v6;
	v18 =	vadd.f32 v61, v18  }
0xc0: {  	v51 =	vld [tilespmem:s23+$0xBB0];
	(xrf1) =	vsort.ascd.msk.u32 $0xffff, v0, v60;
	v17 =	vadd.f32 v19, v17;
	v19 =	vadd.f32 v48, v7  }
0xc1: {  	v61 =	vsel vm2, v13, v12;
	v22 =	vadd.f32 v26, v22;
	v43 =	vadd.f32 v30, v33;
	v48 =	vld [tilespmem:s23+$0x8BE0]  }
0xc2: {  	v30 =	vadd.f32 v50, v4;
	v56 =	vmul.f32 v28, v28;
	v46 =	vsub.f32 v52, v53;
	v52 =	vld [tilespmem:s23+$0x8BB0]  }
0xc3: {  	(xrf1) =	vsort.ascd.msk.u32 $0xffff, v0, v61;
	v25 =	vsub.f32 v54, v55;
	v49 =	vsub.f32 v57, v58;
	v53 =	vld [tilespmem:s23+$0xBF0]  }
0xc4: {  	v21 =	vsub.f32 v42, v45;
	v54 =	vld [tilespmem:s23+$0x8BF0];
	v19 =	vmul.f32 v19, v19;
	v20 =	vadd.f32 v46, v7  }
0xc5: {  	v44 =	vmul.f32 v27, v27;
	v25 =	vadd.f32 v25, v4;
	v29 =	vadd.f32 v49, v5  }
0xc6: {  	v30 =	vmul.f32 v30, v30;
	v21 =	vadd.f32 v21, v5;
	v19 =	vadd.f32 v19, v23  }
0xc7: {  	v23 =	vadd.f32 v44, v43;
	v24 =	vsub.f32 v47, v48;
	v25 =	vmul.f32 v25, v25  }
0xc8: {  	v29 =	vmul.f32 v29, v29;
	v21 =	vmul.f32 v21, v21;
	v27 =	vsub.f32 v51, v52  }
0xc9: {  	(xrf1) =	vsort.ascd.msk.u32 $0xffff, v0, v62;
	v57 =	vsub.f32 v53, v54;
	v24 =	vadd.f32 v24, v6  }
0xca: {  	v20 =	vmul.f32 v20, v20;
	v55 =	vadd.f32 v29, v25;
	v21 =	vadd.f32 v21, v30  }
0xcb: {  	v58 =	vadd.f32 v27, v7;
	v25 =	vadd.f32 v57, v7;
	v24 =	vmul.f32 v24, v24  }
0xcc: {  	v63 =	vsel vm2, v17, v15;
	v20 =	vadd.f32 v20, v23;
	v23 =	vadd.f32 v56, v55  }
0xcd: {  	v26 =	vmul.f32 v58, v58;
	v25 =	vmul.f32 v25, v25;
	v21 =	vadd.f32 v24, v21  }
0xce: {  	v18 =	vadd.f32 v41, v18;
	(xrf1) =	vsort.ascd.msk.u32 $0xffff, v0, v63  }
0xcf: {  	v28 =	vsel vm2, v22, v19;
	v23 =	vadd.f32 v26, v23;
	v21 =	vadd.f32 v25, v21  }
0xd0: {  	(xrf1) =	vsort.ascd.msk.u32 $0xffff, v0, v28;
	v29 =	vsel vm2, v20, v18  }
0xd1: {  	(xrf1) =	vsort.ascd.msk.u32 $0xffff, v0, v29;
	v30 =	vsel vm2, v21, v23  }
0xd2: {  	(xrf1) =	vsort.ascd.msk.u32 $0xffff, v0, v30;
	_ =	sdelay $0x6  }
0xd3: {  	_, v31, _ =	vpop (xrf1)  }
0xd4: {  	_, v32, _ =	vpop (xrf1)  }
0xd5: {  	v35 =	vsel vm2, v12, v13;
	_, v33, _ =	vpop (xrf1)  }
0xd6: {  	v36 =	vsel vm2, v14, v16;
	v8 =	vsel vm2, v8, v10;
	v9 =	vsel vm2, v9, v11;
	_, v34, _ =	vpop (xrf1)  }
0xd7: {  	v38 =	vsel vm2, v15, v17;
	v8 =	vadd.f32 v31, v8;
	v9 =	vadd.f32 v32, v9;
	_, v37, _ =	vpop (xrf1)  }
0xd8: {  	v40 =	vsel vm2, v19, v22;
	v43 =	vsel vm2, v18, v20;
	v11 =	vadd.f32 v33, v35;
	_, v39, _ =	vpop (xrf1)  }
0xd9: {  	v45 =	vsel vm2, v23, v21;
	v46 =	vsel vm0, v9, v8;
	v10 =	vadd.f32 v34, v36;
	_, v42, _ =	vpop (xrf1)  }
0xda: {  	(xrf1) =	vsort.ascd.msk.u32 $0xffff, v1, v46;
	v12 =	vadd.f32 v37, v38;
	v41 =	vadd.f32 v39, v40;
	_, v44, _ =	vpop (xrf1)  }
0xdb: {  	v47 =	vsel vm0, v10, v11;
	v14 =	vadd.f32 v42, v43;
	v15 =	vadd.f32 v44, v45  }
0xdc: {  	(xrf1) =	vsort.ascd.msk.u32 $0xffff, v1, v47;
	v48 =	vsel vm0, v41, v12  }
0xdd: {  	(xrf1) =	vsort.ascd.msk.u32 $0xffff, v1, v48;
	v49 =	vsel vm0, v15, v14  }
0xde: {  	(xrf1) =	vsort.ascd.msk.u32 $0xffff, v1, v49;
	_ =	sdelay $0xa  }
0xdf: {  	_, v50, _ =	vpop (xrf1)  }
0xe0: {  	_, v51, _ =	vpop (xrf1)  }
0xe1: {  	v8 =	vsel vm0, v8, v9;
	v52 =	vsel vm0, v11, v10;
	v54 =	vsel vm0, v12, v41;
	_, v53, _ =	vpop (xrf1)  }
0xe2: {  	v8 =	vadd.f32 v50, v8;
	v56 =	vsel vm0, v14, v15;
	v9 =	vadd.f32 v51, v52;
	_, v55, _ =	vpop (xrf1)  }
0xe3: {  	v10 =	vadd.f32 v53, v54;
	v57 =	vadd.f32 v55, v56  }
0xe4: {  	v58 =	vsel vm1, v9, v8  }
0xe5: {  	(xrf1) =	vsort.ascd.msk.u32 $0xffff, v2, v58;
	v59 =	vsel vm1, v57, v10  }
0xe6: {  	(xrf1) =	vsort.ascd.msk.u32 $0xffff, v2, v59;
	_ =	sdelay $0xc  }
0xe7: {  	_, v60, _ =	vpop (xrf1)  }
0xe8: {  	v8 =	vsel vm1, v8, v9;
	v10 =	vsel vm1, v10, v57;
	_, v61, _ =	vpop (xrf1)  }
0xe9: {  	v8 =	vadd.f32 v60, v8;
	v9 =	vadd.f32 v61, v10;
	_ =	sdelay $0x1  }
0xea: {  	v10 =	vsel vm3, v9, v8  }
0xeb: {  	(xrf1) =	vsort.ascd.msk.u32 $0xffff, v3, v10;
	_ =	sdelay $0xd  }
0xec: {  	v8 =	vsel vm3, v8, v9;
	_, v10, _ =	vpop (xrf1)  }
0xed: {  	v8 =	vadd.f32 v10, v8;
	_ =	sdelay $0x1  }
0xee: {  	v62 =	vshra.s32 v8, $0x1;
	v10 =	vmul.f32 $5.000000000e-01, v8  }
0xef: {  	v9 =	vsub.s32 $0x5F3759DF, v62  }
0xf0: {  	v63 =	vmul.f32 v9, v10;
	_ =	sdelay $0x1  }
0xf1: {  	v11 =	vmul.f32 v9, v63;
	_ =	sdelay $0x1  }
0xf2: {  	v11 =	vsub.f32 $1.500000000e+00, v11;
	_ =	sdelay $0x1  }
0xf3: {  	v9 =	vmul.f32 v9, v11;
	_ =	sdelay $0x1  }
0xf4: {  	v11 =	vmul.f32 v9, v10;
	_ =	sdelay $0x1  }
0xf5: {  	v11 =	vmul.f32 v11, v9;
	_ =	sdelay $0x1  }
0xf6: {  	v11 =	vsub.f32 $1.500000000e+00, v11;
	_ =	sdelay $0x1  }
0xf7: {  	v9 =	vmul.f32 v11, v9;
	_ =	sdelay $0x1  }
0xf8: {  	v10 =	vmul.f32 v9, v10;
	_ =	sdelay $0x1  }
0xf9: {  	v10 =	vmul.f32 v10, v9;
	_ =	sdelay $0x1  }
0xfa: {  	v10 =	vsub.f32 $1.500000000e+00, v10  }
0xfb: {  	p0 =	sne.s32 s22, $0x1F000  }
.Ltmp0:
0xfc: {  	v9 =	vmul.f32 v10, v9;
	(pc) =	sbr.rel @p0 .LBB2_2-.Ltmp0, $3  }
0xfd: {  	_ = 	snop  }
0xfe: {  	v8 =	vmul.f32 v9, v8;
	_ =	sdelay $0x1  }
0xff: {  	s22 =	sadd.s32 $0x1000, s22;
	[tilespmem:s21+$0x0] =	vst v8;
	s21 =	sadd.s32 $0x10, s21  }
0x100: {  	s20 =	sadd.s32 $0x1, s20  }
0x101: {  	p0 =	sne.s32 s20, s13  }
.Ltmp1:
0x102: {  	_ = 	snop;
	(pc) =	sbr.rel @p0 .LBB2_1-.Ltmp1, $4  }
0x103: {  	[hbm4b:s12+s3] =	stream.linear.scatter [tilespmem:s19], [sflag:$0x3], $0x200, $0x38;
	[tilespmem:$0x10A40] =	vst v63  }
0x104: {  	_ =	swait.ge [sflag:s14], $0x200  }
0x105: {  	[sflag:s14] =	ssyncset.done $0x0  }
0x106: {  	[sflag:s14] =	ssyncadd.s32 $0xFFFFFE00  }
0x107: {  	_ =	sfence.sel $0x180000  }
0x108: {  	[bflag:$0x0] =	sbarrier.arrive $0xFFFF  }
0x109: {  	p0 =	sne.s32 s4, $0x0;
	_ =	strace $0x90000047  }
0x10a: {  	s0 =	sadd.s32 @!p0 $0x100000, s2;
	[bflag:$0x2] =	sbarrier.arrive $0xFFFF  }
0x10b: {  	[sflag:s0] =	ssyncadd.tile.s32 @!p0 $0x1;
	_ =	shalt  }
.Lfunc_end2:
_tile_overlayer_lowered:
.L_overlay_start_2:
0x10c: {  	(tag) =	ssettag $0x2  }
0x10d: {  	s0 =	rddreg [dreg:$0x0];
	s2 =	stileid.u32  }
0x10e: {  	s1 =	rddreg [dreg:$0x1];
	p0 =	sne.s32 s2, $0x0  }
0x10f: {  	s3 =	rddreg [dreg:$0x2];
	[bflag:$0x3] =	sbarrier.arrive $0xFFFF;
	s2 =	simm.s32 @!p0 $0x1C03  }
0x110: {  	[timem:s3], [sflag:s2] =	dma.local @!p0 [hbm:s0], s1  }
0x111: {  	s0 =	simm.s32 @!p0 $0x3  }
0x112: {  	_ =	swait.ge @!p0 [sflag:s0], s1  }
0x113: {  	s1 =	ssub.s32 @!p0 $0x0, s1;
	[sflag:s0] =	ssyncset.done @!p0 $0x0  }
0x114: {  	[sflag:s0] =	ssyncadd.s32 @!p0 s1  }
0x115: {  	[bflag:$0x3] =	sbarrier.arrive $0xFFFF  }
0x116: {  	_ =	shalt  }

</sc_bundles>
